<compile_context>
chip_gen: v7x
topology: tpu7x:2x2x1
jax: 0.10.2.dev20260603
libtpu: 0.0.44.dev20260713+nightly
codegen_flags: <defaults>
</compile_context>

<pallas_src>
import functools

import jax
import jax.numpy as jnp
from jax import lax
from jax.experimental import pallas as pl
from jax.experimental.pallas import tpu as pltpu
from jax.experimental.pallas import tpu_sc as plsc

N_NODES = 10000
N_EDGES = 160000
IN_FEATS = 256
OUT_FEATS = 64
NUM_HEADS = 4

ROW_TILE = 400
CHUNK = 88
HALF = 128
TAIL_W = 16
CAT_W = HALF + 2 * TAIL_W
N_SUBCORES = 16
N_ACC = N_NODES + 8
CH_PER_TILE = 114
E_PAD = CH_PER_TILE * N_SUBCORES * CHUNK


def _tc1_body(h_ref, wcat_ref, featp_ref, elt_ref, err_ref):
    hb = h_ref[...]
    for c in range(2):
        f = jnp.dot(hb, wcat_ref[c], preferred_element_type=jnp.float32)
        featp_ref[c] = f[:, :HALF].astype(jnp.bfloat16)
        elt_ref[c] = f[:, HALF:HALF + TAIL_W]
        err_ref[c] = f[:, HALF + TAIL_W:]


_tc1 = pl.pallas_call(
    _tc1_body,
    grid=(N_NODES // ROW_TILE,),
    in_specs=[
        pl.BlockSpec((ROW_TILE, IN_FEATS), lambda i: (i, 0)),
        pl.BlockSpec((2, IN_FEATS, CAT_W), lambda i: (0, 0, 0)),
    ],
    out_specs=[
        pl.BlockSpec((2, ROW_TILE, HALF), lambda i: (0, i, 0)),
        pl.BlockSpec((2, ROW_TILE, TAIL_W), lambda i: (0, i, 0)),
        pl.BlockSpec((2, ROW_TILE, TAIL_W), lambda i: (0, i, 0)),
    ],
    out_shape=[
        jax.ShapeDtypeStruct((2, N_NODES, HALF), jnp.bfloat16),
        jax.ShapeDtypeStruct((2, N_NODES, TAIL_W), jnp.float32),
        jax.ShapeDtypeStruct((2, N_NODES, TAIL_W), jnp.float32),
    ],
)


@functools.cache
def _build_sc_edge_pass():
    mesh = plsc.VectorSubcoreMesh(core_axis_name="c", subcore_axis_name="s")
    slot_scratch = [
        pltpu.VMEM((CHUNK,), jnp.int32),
        pltpu.VMEM((CHUNK,), jnp.int32),
        pltpu.VMEM((CHUNK, HALF), jnp.bfloat16),
        pltpu.VMEM((CHUNK, HALF), jnp.float32),
        pltpu.VMEM((CHUNK, TAIL_W), jnp.float32),
        pltpu.VMEM((CHUNK, TAIL_W), jnp.float32),
        pltpu.SemaphoreType.DMA,
        pltpu.SemaphoreType.DMA,
        pltpu.SemaphoreType.DMA,
    ]
    return pl.kernel(
        _sc_edge_body,
        mesh=mesh,
        compiler_params=pltpu.CompilerParams(
            use_tc_tiling_on_sc=False, needs_layout_passes=False),
        out_type=[
            jax.ShapeDtypeStruct((2, N_NODES, HALF), jnp.float32),
            jax.ShapeDtypeStruct((2, N_NODES, TAIL_W), jnp.float32),
        ],
        scratch_types=slot_scratch + slot_scratch + [
            pltpu.VMEM_SHARED((N_ACC, HALF), jnp.float32),
            pltpu.VMEM_SHARED((N_ACC, TAIL_W), jnp.float32),
        ],
    )


def _sc_edge_body(featp_hbm, elt_hbm, err_hbm, src_hbm, dst_hbm,
                  out_hbm, dout_hbm, *refs):
    nslot = 9
    slots = [
        dict(zip(("src", "dst", "rows", "msg", "elt", "er",
                  "semi", "semg", "sems"),
                 refs[b * nslot:(b + 1) * nslot]))
        for b in range(2)
    ]
    acc_sh, den_sh = refs[2 * nslot], refs[2 * nslot + 1]

    c = lax.axis_index("c")
    sid = lax.axis_index("s")
    zero16 = jnp.zeros((16,), jnp.float32)

    Z = slots[0]

    def _zrow(i, carry):
        for j in range(HALF // 16):
            Z["msg"][i, pl.ds(16 * j, 16)] = zero16
        Z["elt"][i, pl.ds(0, 16)] = zero16
        return carry
    lax.fori_loop(0, CHUNK, _zrow, 0)

    rows_per = N_NODES // N_SUBCORES
    zbase = sid * rows_per
    nfull = rows_per // CHUNK
    rem = rows_per % CHUNK
    for k in range(nfull):
        pltpu.sync_copy(Z["msg"], acc_sh.at[pl.ds(zbase + k * CHUNK, CHUNK)])
        pltpu.sync_copy(Z["elt"], den_sh.at[pl.ds(zbase + k * CHUNK, CHUNK)])
    pltpu.sync_copy(Z["msg"].at[pl.ds(0, rem)],
                    acc_sh.at[pl.ds(zbase + nfull * CHUNK, rem)])
    pltpu.sync_copy(Z["elt"].at[pl.ds(0, rem)],
                    den_sh.at[pl.ds(zbase + nfull * CHUNK, rem)])
    plsc.subcore_barrier()

    def fire_idx(S, k):
        ebase = pl.multiple_of((sid + N_SUBCORES * k) * CHUNK, CHUNK)
        pltpu.async_copy(src_hbm.at[pl.ds(ebase, CHUNK)], S["src"], S["semi"])
        pltpu.async_copy(dst_hbm.at[pl.ds(ebase, CHUNK)], S["dst"], S["semi"])

    def wait_idx(S):
        pltpu.make_async_copy(src_hbm.at[pl.ds(0, CHUNK)], S["src"], S["semi"]).wait()
        pltpu.make_async_copy(dst_hbm.at[pl.ds(0, CHUNK)], S["dst"], S["semi"]).wait()

    def fire_gathers(S):
        pltpu.async_copy(featp_hbm.at[c].at[S["src"]], S["rows"], S["semg"])
        pltpu.async_copy(elt_hbm.at[c].at[S["src"]], S["elt"], S["semg"])
        pltpu.async_copy(err_hbm.at[c].at[S["dst"]], S["er"], S["semg"])

    def wait_gathers(S):
        pltpu.make_async_copy(featp_hbm.at[c].at[S["src"]], S["rows"], S["semg"]).wait()
        pltpu.make_async_copy(elt_hbm.at[c].at[S["src"]], S["elt"], S["semg"]).wait()
        pltpu.make_async_copy(err_hbm.at[c].at[S["dst"]], S["er"], S["semg"]).wait()

    def compute(S):
        rows = S["rows"]
        msg = S["msg"]
        elt = S["elt"]
        erow = S["er"]

        @plsc.parallel_loop(0, CHUNK, unroll=4)
        def _edge(e):
            x = elt[e, pl.ds(0, 16)] + erow[e, pl.ds(0, 16)]
            w2 = jnp.exp(jnp.maximum(x, 0.2 * x))
            for j in range(HALF // 32):
                v = rows[e, pl.ds(32 * j, 32)]
                va, vb = plsc.unpack(v, format=plsc.PackFormat.INTERLEAVED)
                msg[e, pl.ds(32 * j, 16)] = va * w2
                msg[e, pl.ds(32 * j + 16, 16)] = vb * w2
            elt[e, pl.ds(0, 16)] = w2

    def fire_scatter(S):
        pltpu.async_copy(S["msg"], acc_sh.at[S["dst"]], S["sems"], add=True)
        pltpu.async_copy(S["elt"], den_sh.at[S["dst"]], S["sems"], add=True)

    def wait_scatter(S):
        pltpu.make_async_copy(S["msg"], acc_sh.at[S["dst"]], S["sems"]).wait()
        pltpu.make_async_copy(S["elt"], den_sh.at[S["dst"]], S["sems"]).wait()

    fire_idx(slots[0], 0)
    wait_idx(slots[0])
    fire_gathers(slots[0])

    last = CH_PER_TILE - 1

    def body(k, s, guard_tail):
        S, O = slots[s], slots[1 - s]
        pl.when(k > 0)(lambda: wait_scatter(O))
        if guard_tail:
            pl.when(k < last)(lambda: fire_idx(O, k + 1))
        else:
            fire_idx(O, k + 1)
        wait_gathers(S)
        compute(S)
        fire_scatter(S)

        def _prefetch():
            wait_idx(O)
            fire_gathers(O)
        if guard_tail:
            pl.when(k < last)(_prefetch)
        else:
            _prefetch()

    @pl.loop(0, CH_PER_TILE, step=2)
    def _pairs(t):
        body(t, 0, False)
        body(t + 1, 1, True)

    wait_scatter(slots[1])

    plsc.subcore_barrier()
    pltpu.sync_copy(acc_sh.at[pl.ds(zbase, rows_per)],
                    out_hbm.at[c, pl.ds(zbase, rows_per)])
    pltpu.sync_copy(den_sh.at[pl.ds(zbase, rows_per)],
                    dout_hbm.at[c, pl.ds(zbase, rows_per)])


def _tc2_body(acc_ref, den_ref, h_ref, b_ref, p_ref, out_ref):
    parts = []
    for c in range(2):
        den = den_ref[c]
        d16 = jnp.concatenate(
            [jnp.broadcast_to(den[:, 0:1], (ROW_TILE, 8)),
             jnp.broadcast_to(den[:, 8:9], (ROW_TILE, 8))], axis=1)
        denb = jnp.concatenate([d16] * 8, axis=1)
        parts.append(acc_ref[c] / jnp.maximum(denb, 1e-9))
    numer = jnp.concatenate(parts, axis=1)
    unperm = jnp.dot(numer, p_ref[...], preferred_element_type=jnp.float32)
    out_ref[...] = unperm + h_ref[...] + b_ref[...]


_tc2 = pl.pallas_call(
    _tc2_body,
    grid=(N_NODES // ROW_TILE,),
    in_specs=[
        pl.BlockSpec((2, ROW_TILE, HALF), lambda i: (0, i, 0)),
        pl.BlockSpec((2, ROW_TILE, TAIL_W), lambda i: (0, i, 0)),
        pl.BlockSpec((ROW_TILE, IN_FEATS), lambda i: (i, 0)),
        pl.BlockSpec((1, IN_FEATS), lambda i: (0, 0)),
        pl.BlockSpec((IN_FEATS, IN_FEATS), lambda i: (0, 0)),
    ],
    out_specs=pl.BlockSpec((ROW_TILE, IN_FEATS), lambda i: (i, 0)),
    out_shape=jax.ShapeDtypeStruct((N_NODES, IN_FEATS), jnp.float32),
)


def _build_perm_maps():
    perm = [[0] * HALF for _ in range(2)]
    accout = [None] * HALF
    for j in range(4):
        for l in range(16):
            hh, lm = (0, l) if l < 8 else (1, l - 8)
            for p in range(2):
                m = 32 * j + 2 * l + p
                d = 16 * j + 2 * lm + p
                s = 32 * j + 16 * p + l
                for c in range(2):
                    perm[c][m] = 128 * c + 64 * hh + d
                accout[s] = (hh, d)
    return perm, accout


_PERM, _ACCOUT = _build_perm_maps()


def _unperm_matrix():
    import numpy as np
    P = np.zeros((IN_FEATS, IN_FEATS), np.float32)
    for c in range(2):
        for s in range(HALF):
            hh, d = _ACCOUT[s]
            P[128 * c + s, 64 * (2 * c + hh) + d] = 1.0
    return jnp.asarray(P)


def kernel(h, edge_index, W, attn_l, attn_r, bias):
    ei = edge_index.astype(jnp.int32)
    src, dst = ei[0], ei[1]
    npad = E_PAD - N_EDGES
    src_p = jnp.concatenate([src, jnp.zeros((npad,), jnp.int32)])
    dst_p = jnp.concatenate([dst, jnp.full((npad,), N_NODES, jnp.int32)])
    eye = jnp.eye(NUM_HEADS, dtype=jnp.float32)
    Al = (eye[:, None, :] * attn_l[:, :, None]).reshape(IN_FEATS, NUM_HEADS)
    Ar = (eye[:, None, :] * attn_r[:, :, None]).reshape(IN_FEATS, NUM_HEADS)
    WAl = jnp.dot(W, Al)
    WAr = jnp.dot(W, Ar)
    Wcat = jnp.stack([
        jnp.concatenate(
            [W[:, jnp.asarray(_PERM[c])],
             jnp.repeat(WAl[:, 2 * c:2 * c + 1], 8, 1),
             jnp.repeat(WAl[:, 2 * c + 1:2 * c + 2], 8, 1),
             jnp.repeat(WAr[:, 2 * c:2 * c + 1], 8, 1),
             jnp.repeat(WAr[:, 2 * c + 1:2 * c + 2], 8, 1)], axis=1)
        for c in range(2)])
    featp, elt, err = _tc1(h, Wcat)
    err_p = jnp.concatenate(
        [err, jnp.zeros((2, N_ACC - N_NODES, TAIL_W), jnp.float32)], axis=1)
    acc, den = _build_sc_edge_pass()(featp, elt, err_p, src_p, dst_p)
    out = _tc2(acc, den, h, bias.reshape(1, IN_FEATS), _unperm_matrix())
    return out.reshape(N_NODES, NUM_HEADS, OUT_FEATS)

# --- scband reference (transcript-rebuilt; emitter-appended) ---
"""Pipeline reference for scband-gatlayer-20916490732029 (READ-ONLY COPY).

The authoritative reference and input builder live on the scoring server;
editing this copy changes nothing except your own understanding.
"""

import jax, jax.numpy as jnp
import numpy as np

N_NODES = 10000
N_EDGES = 160000
IN_FEATS = 256
OUT_FEATS = 64
NUM_HEADS = 4


def setup_inputs(seed: int = 0) -> dict:
    key = jax.random.key(seed)
    k1, k2, k3, k4, k5, k6 = jax.random.split(key, 6)
    h = jax.random.normal(k1, (N_NODES, IN_FEATS), dtype=jnp.float32)
    edge_index = jax.random.randint(k2, (2, N_EDGES), 0, N_NODES, dtype=jnp.int64)
    # Learned parameters of DGL GATConv(in_feats=256, out_feats=64, num_heads=4, residual=True)
    scale = 1.0 / np.sqrt(IN_FEATS)
    W = jax.random.normal(k3, (IN_FEATS, NUM_HEADS * OUT_FEATS), dtype=jnp.float32) * scale
    attn_l = jax.random.normal(k4, (NUM_HEADS, OUT_FEATS), dtype=jnp.float32) * 0.1
    attn_r = jax.random.normal(k5, (NUM_HEADS, OUT_FEATS), dtype=jnp.float32) * 0.1
    bias = jnp.zeros((NUM_HEADS * OUT_FEATS,), dtype=jnp.float32)
    return {"h": h, "edge_index": edge_index, "W": W, "attn_l": attn_l, "attn_r": attn_r, "bias": bias}


def reference(h, edge_index, W, attn_l, attn_r, bias):
    N = h.shape[0]
    H, D = NUM_HEADS, OUT_FEATS
    src = edge_index[0]
    dst = edge_index[1]
    # Linear projection per head
    feat = (h @ W).reshape(N, H, D)  # [N, H, D]
    # Attention logits: a_l^T Wh_i + a_r^T Wh_j
    el = jnp.sum(feat * attn_l[None, :, :], axis=-1)  # [N, H]
    er = jnp.sum(feat * attn_r[None, :, :], axis=-1)  # [N, H]
    e = jax.nn.leaky_relu(el[src] + er[dst], negative_slope=0.2)  # [E, H]
    # Edge softmax over incoming edges of each dst node (numerically stable)
    emax = jax.ops.segment_max(e, dst, num_segments=N)  # [N, H]
    e_exp = jnp.exp(e - emax[dst])  # [E, H]
    denom = jax.ops.segment_sum(e_exp, dst, num_segments=N)  # [N, H]
    a = e_exp / jnp.maximum(denom[dst], 1e-9)  # [E, H]
    # Weighted message aggregation
    msg = feat[src] * a[:, :, None]  # [E, H, D]
    out = jax.ops.segment_sum(msg, dst, num_segments=N)  # [N, H, D]
    # Residual (identity since in_feats == H*D) and bias
    out = out + h.reshape(N, H, D)
    out = out + bias.reshape(1, H, D)
    return out


if False:  # reference __main__ guard neutralized (emitter)
    inp = setup_inputs()
    y = reference(**inp)
    print(y.shape)

if __name__ == "__main__":
    import jax
    _d = setup_inputs()
    print(jax.jit(kernel)(*tuple(_d.values())))

</pallas_src>

<mosaic_0001>
#map = affine_map<(d0, d1) -> (0, 0, 0)>
#map1 = affine_map<(d0, d1) -> (0)>
module attributes {stable_mosaic.version = 14 : i64} {
  func.func @_sc_edge_body(%arg0: i32, %arg1: i32, %arg2: memref<2x10000x128xbf16, #tpu.memory_space<hbm>>, %arg3: memref<2x10000x16xf32, #tpu.memory_space<hbm>>, %arg4: memref<2x10008x16xf32, #tpu.memory_space<hbm>>, %arg5: memref<160512xi32, #tpu.memory_space<hbm>>, %arg6: memref<160512xi32, #tpu.memory_space<hbm>>, %arg7: memref<2x10000x128xf32, #tpu.memory_space<hbm>>, %arg8: memref<2x10000x16xf32, #tpu.memory_space<hbm>>, %arg9: memref<88xi32, #tpu.memory_space<vmem>>, %arg10: memref<88xi32, #tpu.memory_space<vmem>>, %arg11: memref<88x128xbf16, #tpu.memory_space<vmem>>, %arg12: memref<88x128xf32, #tpu.memory_space<vmem>>, %arg13: memref<88x16xf32, #tpu.memory_space<vmem>>, %arg14: memref<88x16xf32, #tpu.memory_space<vmem>>, %arg15: memref<!tpu.dma_semaphore, #tpu.memory_space<semaphore_mem>>, %arg16: memref<!tpu.dma_semaphore, #tpu.memory_space<semaphore_mem>>, %arg17: memref<!tpu.dma_semaphore, #tpu.memory_space<semaphore_mem>>, %arg18: memref<88xi32, #tpu.memory_space<vmem>>, %arg19: memref<88xi32, #tpu.memory_space<vmem>>, %arg20: memref<88x128xbf16, #tpu.memory_space<vmem>>, %arg21: memref<88x128xf32, #tpu.memory_space<vmem>>, %arg22: memref<88x16xf32, #tpu.memory_space<vmem>>, %arg23: memref<88x16xf32, #tpu.memory_space<vmem>>, %arg24: memref<!tpu.dma_semaphore, #tpu.memory_space<semaphore_mem>>, %arg25: memref<!tpu.dma_semaphore, #tpu.memory_space<semaphore_mem>>, %arg26: memref<!tpu.dma_semaphore, #tpu.memory_space<semaphore_mem>>, %arg27: memref<10008x128xf32, #tpu.memory_space<vmem_shared>>, %arg28: memref<10008x16xf32, #tpu.memory_space<vmem_shared>>) attributes {dimension_semantics = [#tpu.dimension_semantics<core_parallel>, #tpu.dimension_semantics<subcore_parallel>], iteration_bounds = array<i64: 2, 16>, scalar_prefetch = 0 : i64, scratch_operands = 20 : i64, tpu.core_type = #tpu.core_type<sc_vector_subcore>, window_params = [{transform_indices = #map}, {transform_indices = #map}, {transform_indices = #map}, {transform_indices = #map1}, {transform_indices = #map1}, {transform_indices = #map}, {transform_indices = #map}]} {
    %broadcast_in_dim3A = arith.constant 0.000000e+00 : f32
    %broadcast_in_dim3A_0 = vector.broadcast %broadcast_in_dim3A : f32 to vector<16xf32>
    %scan3A = arith.constant 0 : i32
    %scan3A_1 = arith.constant 0 : i32
    %scan3A_2 = arith.constant 88 : i32
    %scan3A_3 = arith.addi %scan3A_1, %scan3A_2 : i32
    %scan3A_4 = arith.constant 1 : i32
    scf.for %scan3A_85 = %scan3A_1 to %scan3A_3 step %scan3A_4  : i32 {
      %swap3A = arith.index_cast %scan3A_85 : i32 to index
      %swap3A_86 = arith.constant 0 : index
      %swap3A_87 = tpu.vector_load %arg12[%swap3A, %swap3A_86] {strides = array<i32>} : memref<88x128xf32, #tpu.memory_space<vmem>>, vector<16xf32>,
      tpu.vector_store %arg12[%swap3A, %swap3A_86], %broadcast_in_dim3A_0 {strides = array<i32>} : memref<88x128xf32, #tpu.memory_space<vmem>>, vector<16xf32>,
      %swap3A_88 = arith.index_cast %scan3A_85 : i32 to index
      %swap3A_89 = arith.constant 16 : index
      %swap3A_90 = tpu.vector_load %arg12[%swap3A_88, %swap3A_89] {strides = array<i32>} : memref<88x128xf32, #tpu.memory_space<vmem>>, vector<16xf32>,
      tpu.vector_store %arg12[%swap3A_88, %swap3A_89], %broadcast_in_dim3A_0 {strides = array<i32>} : memref<88x128xf32, #tpu.memory_space<vmem>>, vector<16xf32>,
      %swap3A_91 = arith.index_cast %scan3A_85 : i32 to index
      %swap3A_92 = arith.constant 32 : index
      %swap3A_93 = tpu.vector_load %arg12[%swap3A_91, %swap3A_92] {strides = array<i32>} : memref<88x128xf32, #tpu.memory_space<vmem>>, vector<16xf32>,
      tpu.vector_store %arg12[%swap3A_91, %swap3A_92], %broadcast_in_dim3A_0 {strides = array<i32>} : memref<88x128xf32, #tpu.memory_space<vmem>>, vector<16xf32>,
      %swap3A_94 = arith.index_cast %scan3A_85 : i32 to index
      %swap3A_95 = arith.constant 48 : index
      %swap3A_96 = tpu.vector_load %arg12[%swap3A_94, %swap3A_95] {strides = array<i32>} : memref<88x128xf32, #tpu.memory_space<vmem>>, vector<16xf32>,
      tpu.vector_store %arg12[%swap3A_94, %swap3A_95], %broadcast_in_dim3A_0 {strides = array<i32>} : memref<88x128xf32, #tpu.memory_space<vmem>>, vector<16xf32>,
      %swap3A_97 = arith.index_cast %scan3A_85 : i32 to index
      %swap3A_98 = arith.constant 64 : index
      %swap3A_99 = tpu.vector_load %arg12[%swap3A_97, %swap3A_98] {strides = array<i32>} : memref<88x128xf32, #tpu.memory_space<vmem>>, vector<16xf32>,
      tpu.vector_store %arg12[%swap3A_97, %swap3A_98], %broadcast_in_dim3A_0 {strides = array<i32>} : memref<88x128xf32, #tpu.memory_space<vmem>>, vector<16xf32>,
      %swap3A_100 = arith.index_cast %scan3A_85 : i32 to index
      %swap3A_101 = arith.constant 80 : index
      %swap3A_102 = tpu.vector_load %arg12[%swap3A_100, %swap3A_101] {strides = array<i32>} : memref<88x128xf32, #tpu.memory_space<vmem>>, vector<16xf32>,
      tpu.vector_store %arg12[%swap3A_100, %swap3A_101], %broadcast_in_dim3A_0 {strides = array<i32>} : memref<88x128xf32, #tpu.memory_space<vmem>>, vector<16xf32>,
      %swap3A_103 = arith.index_cast %scan3A_85 : i32 to index
      %swap3A_104 = arith.constant 96 : index
      %swap3A_105 = tpu.vector_load %arg12[%swap3A_103, %swap3A_104] {strides = array<i32>} : memref<88x128xf32, #tpu.memory_space<vmem>>, vector<16xf32>,
      tpu.vector_store %arg12[%swap3A_103, %swap3A_104], %broadcast_in_dim3A_0 {strides = array<i32>} : memref<88x128xf32, #tpu.memory_space<vmem>>, vector<16xf32>,
      %swap3A_106 = arith.index_cast %scan3A_85 : i32 to index
      %swap3A_107 = arith.constant 112 : index
      %swap3A_108 = tpu.vector_load %arg12[%swap3A_106, %swap3A_107] {strides = array<i32>} : memref<88x128xf32, #tpu.memory_space<vmem>>, vector<16xf32>,
      tpu.vector_store %arg12[%swap3A_106, %swap3A_107], %broadcast_in_dim3A_0 {strides = array<i32>} : memref<88x128xf32, #tpu.memory_space<vmem>>, vector<16xf32>,
      %swap3A_109 = arith.index_cast %scan3A_85 : i32 to index
      %swap3A_110 = arith.constant 0 : index
      %swap3A_111 = tpu.vector_load %arg13[%swap3A_109, %swap3A_110] {strides = array<i32>} : memref<88x16xf32, #tpu.memory_space<vmem>>, vector<16xf32>,
      tpu.vector_store %arg13[%swap3A_109, %swap3A_110], %broadcast_in_dim3A_0 {strides = array<i32>} : memref<88x16xf32, #tpu.memory_space<vmem>>, vector<16xf32>,
    }
    %scan3A_5 = arith.constant 88 : i32
    %mul3A = arith.constant 625 : i32
    %mul3A_6 = arith.muli %arg1, %mul3A : i32
    %add3A = arith.constant 0 : i32
    %add3A_7 = arith.addi %mul3A_6, %add3A : i32
    "tpu.region"() ({
      %run_scoped3A = tpu.sem_alloc : memref<!tpu.dma_semaphore, #tpu.memory_space<semaphore_mem>>
      %dma_start3A_85 = arith.constant 0 : i32
      %dma_start3A_86 = tpu.memref_slice %arg27[%add3A_7, %dma_start3A_85] : memref<10008x128xf32, #tpu.memory_space<vmem_shared>> -> memref<88x128xf32, #tpu.memory_space<vmem_shared>>
      %dma_start3A_87 = arith.constant 0 : i32
      %dma_start3A_88 = tpu.memref_slice %arg27[%add3A_7, %dma_start3A_87] : memref<10008x128xf32, #tpu.memory_space<vmem_shared>> -> memref<88x128xf32, #tpu.memory_space<vmem_shared>>
      tpu.enqueue_dma source(%arg12 : memref<88x128xf32, #tpu.memory_space<vmem>>) target(%dma_start3A_88 : memref<88x128xf32, #tpu.memory_space<vmem_shared>>) target_semaphore(%run_scoped3A : memref<!tpu.dma_semaphore, #tpu.memory_space<semaphore_mem>>)
      %dma_wait3A_89 = arith.constant 0 : i32
      %dma_wait3A_90 = tpu.memref_slice %arg27[%add3A_7, %dma_wait3A_89] : memref<10008x128xf32, #tpu.memory_space<vmem_shared>> -> memref<88x128xf32, #tpu.memory_space<vmem_shared>>
      %dma_wait3A_91 = arith.constant 0 : i32
      %dma_wait3A_92 = tpu.memref_slice %arg27[%add3A_7, %dma_wait3A_91] : memref<10008x128xf32, #tpu.memory_space<vmem_shared>> -> memref<88x128xf32, #tpu.memory_space<vmem_shared>>
      tpu.wait_dma2 semaphore(%run_scoped3A : memref<!tpu.dma_semaphore, #tpu.memory_space<semaphore_mem>>) src(%arg12 : memref<88x128xf32, #tpu.memory_space<vmem>>) dst(%dma_wait3A_92 : memref<88x128xf32, #tpu.memory_space<vmem_shared>>)
      tpu.yield
    }) : () -> ()
    %add3A_8 = arith.constant 0 : i32
    %add3A_9 = arith.addi %mul3A_6, %add3A_8 : i32
    "tpu.region"() ({
      %run_scoped3A = tpu.sem_alloc : memref<!tpu.dma_semaphore, #tpu.memory_space<semaphore_mem>>
      %dma_start3A_85 = arith.constant 0 : i32
      %dma_start3A_86 = tpu.memref_slice %arg28[%add3A_9, %dma_start3A_85] : memref<10008x16xf32, #tpu.memory_space<vmem_shared>> -> memref<88x16xf32, #tpu.memory_space<vmem_shared>>
      %dma_start3A_87 = arith.constant 0 : i32
      %dma_start3A_88 = tpu.memref_slice %arg28[%add3A_9, %dma_start3A_87] : memref<10008x16xf32, #tpu.memory_space<vmem_shared>> -> memref<88x16xf32, #tpu.memory_space<vmem_shared>>
      tpu.enqueue_dma source(%arg13 : memref<88x16xf32, #tpu.memory_space<vmem>>) target(%dma_start3A_88 : memref<88x16xf32, #tpu.memory_space<vmem_shared>>) target_semaphore(%run_scoped3A : memref<!tpu.dma_semaphore, #tpu.memory_space<semaphore_mem>>)
      %dma_wait3A_89 = arith.constant 0 : i32
      %dma_wait3A_90 = tpu.memref_slice %arg28[%add3A_9, %dma_wait3A_89] : memref<10008x16xf32, #tpu.memory_space<vmem_shared>> -> memref<88x16xf32, #tpu.memory_space<vmem_shared>>
      %dma_wait3A_91 = arith.constant 0 : i32
      %dma_wait3A_92 = tpu.memref_slice %arg28[%add3A_9, %dma_wait3A_91] : memref<10008x16xf32, #tpu.memory_space<vmem_shared>> -> memref<88x16xf32, #tpu.memory_space<vmem_shared>>
      tpu.wait_dma2 semaphore(%run_scoped3A : memref<!tpu.dma_semaphore, #tpu.memory_space<semaphore_mem>>) src(%arg13 : memref<88x16xf32, #tpu.memory_space<vmem>>) dst(%dma_wait3A_92 : memref<88x16xf32, #tpu.memory_space<vmem_shared>>)
      tpu.yield
    }) : () -> ()
    %add3A_10 = arith.constant 88 : i32
    %add3A_11 = arith.addi %mul3A_6, %add3A_10 : i32
    "tpu.region"() ({
      %run_scoped3A = tpu.sem_alloc : memref<!tpu.dma_semaphore, #tpu.memory_space<semaphore_mem>>
      %dma_start3A_85 = arith.constant 0 : i32
      %dma_start3A_86 = tpu.memref_slice %arg27[%add3A_11, %dma_start3A_85] : memref<10008x128xf32, #tpu.memory_space<vmem_shared>> -> memref<88x128xf32, #tpu.memory_space<vmem_shared>>
      %dma_start3A_87 = arith.constant 0 : i32
      %dma_start3A_88 = tpu.memref_slice %arg27[%add3A_11, %dma_start3A_87] : memref<10008x128xf32, #tpu.memory_space<vmem_shared>> -> memref<88x128xf32, #tpu.memory_space<vmem_shared>>
      tpu.enqueue_dma source(%arg12 : memref<88x128xf32, #tpu.memory_space<vmem>>) target(%dma_start3A_88 : memref<88x128xf32, #tpu.memory_space<vmem_shared>>) target_semaphore(%run_scoped3A : memref<!tpu.dma_semaphore, #tpu.memory_space<semaphore_mem>>)
      %dma_wait3A_89 = arith.constant 0 : i32
      %dma_wait3A_90 = tpu.memref_slice %arg27[%add3A_11, %dma_wait3A_89] : memref<10008x128xf32, #tpu.memory_space<vmem_shared>> -> memref<88x128xf32, #tpu.memory_space<vmem_shared>>
      %dma_wait3A_91 = arith.constant 0 : i32
      %dma_wait3A_92 = tpu.memref_slice %arg27[%add3A_11, %dma_wait3A_91] : memref<10008x128xf32, #tpu.memory_space<vmem_shared>> -> memref<88x128xf32, #tpu.memory_space<vmem_shared>>
      tpu.wait_dma2 semaphore(%run_scoped3A : memref<!tpu.dma_semaphore, #tpu.memory_space<semaphore_mem>>) src(%arg12 : memref<88x128xf32, #tpu.memory_space<vmem>>) dst(%dma_wait3A_92 : memref<88x128xf32, #tpu.memory_space<vmem_shared>>)
      tpu.yield
    }) : () -> ()
    %add3A_12 = arith.constant 88 : i32
    %add3A_13 = arith.addi %mul3A_6, %add3A_12 : i32
    "tpu.region"() ({
      %run_scoped3A = tpu.sem_alloc : memref<!tpu.dma_semaphore, #tpu.memory_space<semaphore_mem>>
      %dma_start3A_85 = arith.constant 0 : i32
      %dma_start3A_86 = tpu.memref_slice %arg28[%add3A_13, %dma_start3A_85] : memref<10008x16xf32, #tpu.memory_space<vmem_shared>> -> memref<88x16xf32, #tpu.memory_space<vmem_shared>>
      %dma_start3A_87 = arith.constant 0 : i32
      %dma_start3A_88 = tpu.memref_slice %arg28[%add3A_13, %dma_start3A_87] : memref<10008x16xf32, #tpu.memory_space<vmem_shared>> -> memref<88x16xf32, #tpu.memory_space<vmem_shared>>
      tpu.enqueue_dma source(%arg13 : memref<88x16xf32, #tpu.memory_space<vmem>>) target(%dma_start3A_88 : memref<88x16xf32, #tpu.memory_space<vmem_shared>>) target_semaphore(%run_scoped3A : memref<!tpu.dma_semaphore, #tpu.memory_space<semaphore_mem>>)
      %dma_wait3A_89 = arith.constant 0 : i32
      %dma_wait3A_90 = tpu.memref_slice %arg28[%add3A_13, %dma_wait3A_89] : memref<10008x16xf32, #tpu.memory_space<vmem_shared>> -> memref<88x16xf32, #tpu.memory_space<vmem_shared>>
      %dma_wait3A_91 = arith.constant 0 : i32
      %dma_wait3A_92 = tpu.memref_slice %arg28[%add3A_13, %dma_wait3A_91] : memref<10008x16xf32, #tpu.memory_space<vmem_shared>> -> memref<88x16xf32, #tpu.memory_space<vmem_shared>>
      tpu.wait_dma2 semaphore(%run_scoped3A : memref<!tpu.dma_semaphore, #tpu.memory_space<semaphore_mem>>) src(%arg13 : memref<88x16xf32, #tpu.memory_space<vmem>>) dst(%dma_wait3A_92 : memref<88x16xf32, #tpu.memory_space<vmem_shared>>)
      tpu.yield
    }) : () -> ()
    %add3A_14 = arith.constant 176 : i32
    %add3A_15 = arith.addi %mul3A_6, %add3A_14 : i32
    "tpu.region"() ({
      %run_scoped3A = tpu.sem_alloc : memref<!tpu.dma_semaphore, #tpu.memory_space<semaphore_mem>>
      %dma_start3A_85 = arith.constant 0 : i32
      %dma_start3A_86 = tpu.memref_slice %arg27[%add3A_15, %dma_start3A_85] : memref<10008x128xf32, #tpu.memory_space<vmem_shared>> -> memref<88x128xf32, #tpu.memory_space<vmem_shared>>
      %dma_start3A_87 = arith.constant 0 : i32
      %dma_start3A_88 = tpu.memref_slice %arg27[%add3A_15, %dma_start3A_87] : memref<10008x128xf32, #tpu.memory_space<vmem_shared>> -> memref<88x128xf32, #tpu.memory_space<vmem_shared>>
      tpu.enqueue_dma source(%arg12 : memref<88x128xf32, #tpu.memory_space<vmem>>) target(%dma_start3A_88 : memref<88x128xf32, #tpu.memory_space<vmem_shared>>) target_semaphore(%run_scoped3A : memref<!tpu.dma_semaphore, #tpu.memory_space<semaphore_mem>>)
      %dma_wait3A_89 = arith.constant 0 : i32
      %dma_wait3A_90 = tpu.memref_slice %arg27[%add3A_15, %dma_wait3A_89] : memref<10008x128xf32, #tpu.memory_space<vmem_shared>> -> memref<88x128xf32, #tpu.memory_space<vmem_shared>>
      %dma_wait3A_91 = arith.constant 0 : i32
      %dma_wait3A_92 = tpu.memref_slice %arg27[%add3A_15, %dma_wait3A_91] : memref<10008x128xf32, #tpu.memory_space<vmem_shared>> -> memref<88x128xf32, #tpu.memory_space<vmem_shared>>
      tpu.wait_dma2 semaphore(%run_scoped3A : memref<!tpu.dma_semaphore, #tpu.memory_space<semaphore_mem>>) src(%arg12 : memref<88x128xf32, #tpu.memory_space<vmem>>) dst(%dma_wait3A_92 : memref<88x128xf32, #tpu.memory_space<vmem_shared>>)
      tpu.yield
    }) : () -> ()
    %add3A_16 = arith.constant 176 : i32
    %add3A_17 = arith.addi %mul3A_6, %add3A_16 : i32
    "tpu.region"() ({
      %run_scoped3A = tpu.sem_alloc : memref<!tpu.dma_semaphore, #tpu.memory_space<semaphore_mem>>
      %dma_start3A_85 = arith.constant 0 : i32
      %dma_start3A_86 = tpu.memref_slice %arg28[%add3A_17, %dma_start3A_85] : memref<10008x16xf32, #tpu.memory_space<vmem_shared>> -> memref<88x16xf32, #tpu.memory_space<vmem_shared>>
      %dma_start3A_87 = arith.constant 0 : i32
      %dma_start3A_88 = tpu.memref_slice %arg28[%add3A_17, %dma_start3A_87] : memref<10008x16xf32, #tpu.memory_space<vmem_shared>> -> memref<88x16xf32, #tpu.memory_space<vmem_shared>>
      tpu.enqueue_dma source(%arg13 : memref<88x16xf32, #tpu.memory_space<vmem>>) target(%dma_start3A_88 : memref<88x16xf32, #tpu.memory_space<vmem_shared>>) target_semaphore(%run_scoped3A : memref<!tpu.dma_semaphore, #tpu.memory_space<semaphore_mem>>)
      %dma_wait3A_89 = arith.constant 0 : i32
      %dma_wait3A_90 = tpu.memref_slice %arg28[%add3A_17, %dma_wait3A_89] : memref<10008x16xf32, #tpu.memory_space<vmem_shared>> -> memref<88x16xf32, #tpu.memory_space<vmem_shared>>
      %dma_wait3A_91 = arith.constant 0 : i32
      %dma_wait3A_92 = tpu.memref_slice %arg28[%add3A_17, %dma_wait3A_91] : memref<10008x16xf32, #tpu.memory_space<vmem_shared>> -> memref<88x16xf32, #tpu.memory_space<vmem_shared>>
      tpu.wait_dma2 semaphore(%run_scoped3A : memref<!tpu.dma_semaphore, #tpu.memory_space<semaphore_mem>>) src(%arg13 : memref<88x16xf32, #tpu.memory_space<vmem>>) dst(%dma_wait3A_92 : memref<88x16xf32, #tpu.memory_space<vmem_shared>>)
      tpu.yield
    }) : () -> ()
    %add3A_18 = arith.constant 264 : i32
    %add3A_19 = arith.addi %mul3A_6, %add3A_18 : i32
    "tpu.region"() ({
      %run_scoped3A = tpu.sem_alloc : memref<!tpu.dma_semaphore, #tpu.memory_space<semaphore_mem>>
      %dma_start3A_85 = arith.constant 0 : i32
      %dma_start3A_86 = tpu.memref_slice %arg27[%add3A_19, %dma_start3A_85] : memref<10008x128xf32, #tpu.memory_space<vmem_shared>> -> memref<88x128xf32, #tpu.memory_space<vmem_shared>>
      %dma_start3A_87 = arith.constant 0 : i32
      %dma_start3A_88 = tpu.memref_slice %arg27[%add3A_19, %dma_start3A_87] : memref<10008x128xf32, #tpu.memory_space<vmem_shared>> -> memref<88x128xf32, #tpu.memory_space<vmem_shared>>
      tpu.enqueue_dma source(%arg12 : memref<88x128xf32, #tpu.memory_space<vmem>>) target(%dma_start3A_88 : memref<88x128xf32, #tpu.memory_space<vmem_shared>>) target_semaphore(%run_scoped3A : memref<!tpu.dma_semaphore, #tpu.memory_space<semaphore_mem>>)
      %dma_wait3A_89 = arith.constant 0 : i32
      %dma_wait3A_90 = tpu.memref_slice %arg27[%add3A_19, %dma_wait3A_89] : memref<10008x128xf32, #tpu.memory_space<vmem_shared>> -> memref<88x128xf32, #tpu.memory_space<vmem_shared>>
      %dma_wait3A_91 = arith.constant 0 : i32
      %dma_wait3A_92 = tpu.memref_slice %arg27[%add3A_19, %dma_wait3A_91] : memref<10008x128xf32, #tpu.memory_space<vmem_shared>> -> memref<88x128xf32, #tpu.memory_space<vmem_shared>>
      tpu.wait_dma2 semaphore(%run_scoped3A : memref<!tpu.dma_semaphore, #tpu.memory_space<semaphore_mem>>) src(%arg12 : memref<88x128xf32, #tpu.memory_space<vmem>>) dst(%dma_wait3A_92 : memref<88x128xf32, #tpu.memory_space<vmem_shared>>)
      tpu.yield
    }) : () -> ()
    %add3A_20 = arith.constant 264 : i32
    %add3A_21 = arith.addi %mul3A_6, %add3A_20 : i32
    "tpu.region"() ({
      %run_scoped3A = tpu.sem_alloc : memref<!tpu.dma_semaphore, #tpu.memory_space<semaphore_mem>>
      %dma_start3A_85 = arith.constant 0 : i32
      %dma_start3A_86 = tpu.memref_slice %arg28[%add3A_21, %dma_start3A_85] : memref<10008x16xf32, #tpu.memory_space<vmem_shared>> -> memref<88x16xf32, #tpu.memory_space<vmem_shared>>
      %dma_start3A_87 = arith.constant 0 : i32
      %dma_start3A_88 = tpu.memref_slice %arg28[%add3A_21, %dma_start3A_87] : memref<10008x16xf32, #tpu.memory_space<vmem_shared>> -> memref<88x16xf32, #tpu.memory_space<vmem_shared>>
      tpu.enqueue_dma source(%arg13 : memref<88x16xf32, #tpu.memory_space<vmem>>) target(%dma_start3A_88 : memref<88x16xf32, #tpu.memory_space<vmem_shared>>) target_semaphore(%run_scoped3A : memref<!tpu.dma_semaphore, #tpu.memory_space<semaphore_mem>>)
      %dma_wait3A_89 = arith.constant 0 : i32
      %dma_wait3A_90 = tpu.memref_slice %arg28[%add3A_21, %dma_wait3A_89] : memref<10008x16xf32, #tpu.memory_space<vmem_shared>> -> memref<88x16xf32, #tpu.memory_space<vmem_shared>>
      %dma_wait3A_91 = arith.constant 0 : i32
      %dma_wait3A_92 = tpu.memref_slice %arg28[%add3A_21, %dma_wait3A_91] : memref<10008x16xf32, #tpu.memory_space<vmem_shared>> -> memref<88x16xf32, #tpu.memory_space<vmem_shared>>
      tpu.wait_dma2 semaphore(%run_scoped3A : memref<!tpu.dma_semaphore, #tpu.memory_space<semaphore_mem>>) src(%arg13 : memref<88x16xf32, #tpu.memory_space<vmem>>) dst(%dma_wait3A_92 : memref<88x16xf32, #tpu.memory_space<vmem_shared>>)
      tpu.yield
    }) : () -> ()
    %add3A_22 = arith.constant 352 : i32
    %add3A_23 = arith.addi %mul3A_6, %add3A_22 : i32
    "tpu.region"() ({
      %run_scoped3A = tpu.sem_alloc : memref<!tpu.dma_semaphore, #tpu.memory_space<semaphore_mem>>
      %dma_start3A_85 = arith.constant 0 : i32
      %dma_start3A_86 = tpu.memref_slice %arg27[%add3A_23, %dma_start3A_85] : memref<10008x128xf32, #tpu.memory_space<vmem_shared>> -> memref<88x128xf32, #tpu.memory_space<vmem_shared>>
      %dma_start3A_87 = arith.constant 0 : i32
      %dma_start3A_88 = tpu.memref_slice %arg27[%add3A_23, %dma_start3A_87] : memref<10008x128xf32, #tpu.memory_space<vmem_shared>> -> memref<88x128xf32, #tpu.memory_space<vmem_shared>>
      tpu.enqueue_dma source(%arg12 : memref<88x128xf32, #tpu.memory_space<vmem>>) target(%dma_start3A_88 : memref<88x128xf32, #tpu.memory_space<vmem_shared>>) target_semaphore(%run_scoped3A : memref<!tpu.dma_semaphore, #tpu.memory_space<semaphore_mem>>)
      %dma_wait3A_89 = arith.constant 0 : i32
      %dma_wait3A_90 = tpu.memref_slice %arg27[%add3A_23, %dma_wait3A_89] : memref<10008x128xf32, #tpu.memory_space<vmem_shared>> -> memref<88x128xf32, #tpu.memory_space<vmem_shared>>
      %dma_wait3A_91 = arith.constant 0 : i32
      %dma_wait3A_92 = tpu.memref_slice %arg27[%add3A_23, %dma_wait3A_91] : memref<10008x128xf32, #tpu.memory_space<vmem_shared>> -> memref<88x128xf32, #tpu.memory_space<vmem_shared>>
      tpu.wait_dma2 semaphore(%run_scoped3A : memref<!tpu.dma_semaphore, #tpu.memory_space<semaphore_mem>>) src(%arg12 : memref<88x128xf32, #tpu.memory_space<vmem>>) dst(%dma_wait3A_92 : memref<88x128xf32, #tpu.memory_space<vmem_shared>>)
      tpu.yield
    }) : () -> ()
    %add3A_24 = arith.constant 352 : i32
    %add3A_25 = arith.addi %mul3A_6, %add3A_24 : i32
    "tpu.region"() ({
      %run_scoped3A = tpu.sem_alloc : memref<!tpu.dma_semaphore, #tpu.memory_space<semaphore_mem>>
      %dma_start3A_85 = arith.constant 0 : i32
      %dma_start3A_86 = tpu.memref_slice %arg28[%add3A_25, %dma_start3A_85] : memref<10008x16xf32, #tpu.memory_space<vmem_shared>> -> memref<88x16xf32, #tpu.memory_space<vmem_shared>>
      %dma_start3A_87 = arith.constant 0 : i32
      %dma_start3A_88 = tpu.memref_slice %arg28[%add3A_25, %dma_start3A_87] : memref<10008x16xf32, #tpu.memory_space<vmem_shared>> -> memref<88x16xf32, #tpu.memory_space<vmem_shared>>
      tpu.enqueue_dma source(%arg13 : memref<88x16xf32, #tpu.memory_space<vmem>>) target(%dma_start3A_88 : memref<88x16xf32, #tpu.memory_space<vmem_shared>>) target_semaphore(%run_scoped3A : memref<!tpu.dma_semaphore, #tpu.memory_space<semaphore_mem>>)
      %dma_wait3A_89 = arith.constant 0 : i32
      %dma_wait3A_90 = tpu.memref_slice %arg28[%add3A_25, %dma_wait3A_89] : memref<10008x16xf32, #tpu.memory_space<vmem_shared>> -> memref<88x16xf32, #tpu.memory_space<vmem_shared>>
      %dma_wait3A_91 = arith.constant 0 : i32
      %dma_wait3A_92 = tpu.memref_slice %arg28[%add3A_25, %dma_wait3A_91] : memref<10008x16xf32, #tpu.memory_space<vmem_shared>> -> memref<88x16xf32, #tpu.memory_space<vmem_shared>>
      tpu.wait_dma2 semaphore(%run_scoped3A : memref<!tpu.dma_semaphore, #tpu.memory_space<semaphore_mem>>) src(%arg13 : memref<88x16xf32, #tpu.memory_space<vmem>>) dst(%dma_wait3A_92 : memref<88x16xf32, #tpu.memory_space<vmem_shared>>)
      tpu.yield
    }) : () -> ()
    %add3A_26 = arith.constant 440 : i32
    %add3A_27 = arith.addi %mul3A_6, %add3A_26 : i32
    "tpu.region"() ({
      %run_scoped3A = tpu.sem_alloc : memref<!tpu.dma_semaphore, #tpu.memory_space<semaphore_mem>>
      %dma_start3A_85 = arith.constant 0 : i32
      %dma_start3A_86 = tpu.memref_slice %arg27[%add3A_27, %dma_start3A_85] : memref<10008x128xf32, #tpu.memory_space<vmem_shared>> -> memref<88x128xf32, #tpu.memory_space<vmem_shared>>
      %dma_start3A_87 = arith.constant 0 : i32
      %dma_start3A_88 = tpu.memref_slice %arg27[%add3A_27, %dma_start3A_87] : memref<10008x128xf32, #tpu.memory_space<vmem_shared>> -> memref<88x128xf32, #tpu.memory_space<vmem_shared>>
      tpu.enqueue_dma source(%arg12 : memref<88x128xf32, #tpu.memory_space<vmem>>) target(%dma_start3A_88 : memref<88x128xf32, #tpu.memory_space<vmem_shared>>) target_semaphore(%run_scoped3A : memref<!tpu.dma_semaphore, #tpu.memory_space<semaphore_mem>>)
      %dma_wait3A_89 = arith.constant 0 : i32
      %dma_wait3A_90 = tpu.memref_slice %arg27[%add3A_27, %dma_wait3A_89] : memref<10008x128xf32, #tpu.memory_space<vmem_shared>> -> memref<88x128xf32, #tpu.memory_space<vmem_shared>>
      %dma_wait3A_91 = arith.constant 0 : i32
      %dma_wait3A_92 = tpu.memref_slice %arg27[%add3A_27, %dma_wait3A_91] : memref<10008x128xf32, #tpu.memory_space<vmem_shared>> -> memref<88x128xf32, #tpu.memory_space<vmem_shared>>
      tpu.wait_dma2 semaphore(%run_scoped3A : memref<!tpu.dma_semaphore, #tpu.memory_space<semaphore_mem>>) src(%arg12 : memref<88x128xf32, #tpu.memory_space<vmem>>) dst(%dma_wait3A_92 : memref<88x128xf32, #tpu.memory_space<vmem_shared>>)
      tpu.yield
    }) : () -> ()
    %add3A_28 = arith.constant 440 : i32
    %add3A_29 = arith.addi %mul3A_6, %add3A_28 : i32
    "tpu.region"() ({
      %run_scoped3A = tpu.sem_alloc : memref<!tpu.dma_semaphore, #tpu.memory_space<semaphore_mem>>
      %dma_start3A_85 = arith.constant 0 : i32
      %dma_start3A_86 = tpu.memref_slice %arg28[%add3A_29, %dma_start3A_85] : memref<10008x16xf32, #tpu.memory_space<vmem_shared>> -> memref<88x16xf32, #tpu.memory_space<vmem_shared>>
      %dma_start3A_87 = arith.constant 0 : i32
      %dma_start3A_88 = tpu.memref_slice %arg28[%add3A_29, %dma_start3A_87] : memref<10008x16xf32, #tpu.memory_space<vmem_shared>> -> memref<88x16xf32, #tpu.memory_space<vmem_shared>>
      tpu.enqueue_dma source(%arg13 : memref<88x16xf32, #tpu.memory_space<vmem>>) target(%dma_start3A_88 : memref<88x16xf32, #tpu.memory_space<vmem_shared>>) target_semaphore(%run_scoped3A : memref<!tpu.dma_semaphore, #tpu.memory_space<semaphore_mem>>)
      %dma_wait3A_89 = arith.constant 0 : i32
      %dma_wait3A_90 = tpu.memref_slice %arg28[%add3A_29, %dma_wait3A_89] : memref<10008x16xf32, #tpu.memory_space<vmem_shared>> -> memref<88x16xf32, #tpu.memory_space<vmem_shared>>
      %dma_wait3A_91 = arith.constant 0 : i32
      %dma_wait3A_92 = tpu.memref_slice %arg28[%add3A_29, %dma_wait3A_91] : memref<10008x16xf32, #tpu.memory_space<vmem_shared>> -> memref<88x16xf32, #tpu.memory_space<vmem_shared>>
      tpu.wait_dma2 semaphore(%run_scoped3A : memref<!tpu.dma_semaphore, #tpu.memory_space<semaphore_mem>>) src(%arg13 : memref<88x16xf32, #tpu.memory_space<vmem>>) dst(%dma_wait3A_92 : memref<88x16xf32, #tpu.memory_space<vmem_shared>>)
      tpu.yield
    }) : () -> ()
    %add3A_30 = arith.constant 528 : i32
    %add3A_31 = arith.addi %mul3A_6, %add3A_30 : i32
    "tpu.region"() ({
      %run_scoped3A = tpu.sem_alloc : memref<!tpu.dma_semaphore, #tpu.memory_space<semaphore_mem>>
      %dma_start3A_85 = arith.constant 0 : i32
      %dma_start3A_86 = tpu.memref_slice %arg27[%add3A_31, %dma_start3A_85] : memref<10008x128xf32, #tpu.memory_space<vmem_shared>> -> memref<88x128xf32, #tpu.memory_space<vmem_shared>>
      %dma_start3A_87 = arith.constant 0 : i32
      %dma_start3A_88 = tpu.memref_slice %arg27[%add3A_31, %dma_start3A_87] : memref<10008x128xf32, #tpu.memory_space<vmem_shared>> -> memref<88x128xf32, #tpu.memory_space<vmem_shared>>
      tpu.enqueue_dma source(%arg12 : memref<88x128xf32, #tpu.memory_space<vmem>>) target(%dma_start3A_88 : memref<88x128xf32, #tpu.memory_space<vmem_shared>>) target_semaphore(%run_scoped3A : memref<!tpu.dma_semaphore, #tpu.memory_space<semaphore_mem>>)
      %dma_wait3A_89 = arith.constant 0 : i32
      %dma_wait3A_90 = tpu.memref_slice %arg27[%add3A_31, %dma_wait3A_89] : memref<10008x128xf32, #tpu.memory_space<vmem_shared>> -> memref<88x128xf32, #tpu.memory_space<vmem_shared>>
      %dma_wait3A_91 = arith.constant 0 : i32
      %dma_wait3A_92 = tpu.memref_slice %arg27[%add3A_31, %dma_wait3A_91] : memref<10008x128xf32, #tpu.memory_space<vmem_shared>> -> memref<88x128xf32, #tpu.memory_space<vmem_shared>>
      tpu.wait_dma2 semaphore(%run_scoped3A : memref<!tpu.dma_semaphore, #tpu.memory_space<semaphore_mem>>) src(%arg12 : memref<88x128xf32, #tpu.memory_space<vmem>>) dst(%dma_wait3A_92 : memref<88x128xf32, #tpu.memory_space<vmem_shared>>)
      tpu.yield
    }) : () -> ()
    %add3A_32 = arith.constant 528 : i32
    %add3A_33 = arith.addi %mul3A_6, %add3A_32 : i32
    "tpu.region"() ({
      %run_scoped3A = tpu.sem_alloc : memref<!tpu.dma_semaphore, #tpu.memory_space<semaphore_mem>>
      %dma_start3A_85 = arith.constant 0 : i32
      %dma_start3A_86 = tpu.memref_slice %arg28[%add3A_33, %dma_start3A_85] : memref<10008x16xf32, #tpu.memory_space<vmem_shared>> -> memref<88x16xf32, #tpu.memory_space<vmem_shared>>
      %dma_start3A_87 = arith.constant 0 : i32
      %dma_start3A_88 = tpu.memref_slice %arg28[%add3A_33, %dma_start3A_87] : memref<10008x16xf32, #tpu.memory_space<vmem_shared>> -> memref<88x16xf32, #tpu.memory_space<vmem_shared>>
      tpu.enqueue_dma source(%arg13 : memref<88x16xf32, #tpu.memory_space<vmem>>) target(%dma_start3A_88 : memref<88x16xf32, #tpu.memory_space<vmem_shared>>) target_semaphore(%run_scoped3A : memref<!tpu.dma_semaphore, #tpu.memory_space<semaphore_mem>>)
      %dma_wait3A_89 = arith.constant 0 : i32
      %dma_wait3A_90 = tpu.memref_slice %arg28[%add3A_33, %dma_wait3A_89] : memref<10008x16xf32, #tpu.memory_space<vmem_shared>> -> memref<88x16xf32, #tpu.memory_space<vmem_shared>>
      %dma_wait3A_91 = arith.constant 0 : i32
      %dma_wait3A_92 = tpu.memref_slice %arg28[%add3A_33, %dma_wait3A_91] : memref<10008x16xf32, #tpu.memory_space<vmem_shared>> -> memref<88x16xf32, #tpu.memory_space<vmem_shared>>
      tpu.wait_dma2 semaphore(%run_scoped3A : memref<!tpu.dma_semaphore, #tpu.memory_space<semaphore_mem>>) src(%arg13 : memref<88x16xf32, #tpu.memory_space<vmem>>) dst(%dma_wait3A_92 : memref<88x16xf32, #tpu.memory_space<vmem_shared>>)
      tpu.yield
    }) : () -> ()
    %add3A_34 = arith.constant 616 : i32
    %add3A_35 = arith.addi %mul3A_6, %add3A_34 : i32
    "tpu.region"() ({
      %run_scoped3A = tpu.sem_alloc : memref<!tpu.dma_semaphore, #tpu.memory_space<semaphore_mem>>
      %dma_start3A_85 = arith.constant 0 : i32
      %dma_start3A_86 = arith.constant 0 : i32
      %dma_start3A_87 = tpu.memref_slice %arg12[%dma_start3A_85, %dma_start3A_86] : memref<88x128xf32, #tpu.memory_space<vmem>> -> memref<9x128xf32, #tpu.memory_space<vmem>>
      %dma_start3A_88 = arith.constant 0 : i32
      %dma_start3A_89 = tpu.memref_slice %arg27[%add3A_35, %dma_start3A_88] : memref<10008x128xf32, #tpu.memory_space<vmem_shared>> -> memref<9x128xf32, #tpu.memory_space<vmem_shared>>
      %dma_start3A_90 = arith.constant 0 : i32
      %dma_start3A_91 = tpu.memref_slice %arg27[%add3A_35, %dma_start3A_90] : memref<10008x128xf32, #tpu.memory_space<vmem_shared>> -> memref<9x128xf32, #tpu.memory_space<vmem_shared>>
      %dma_start3A_92 = arith.constant 0 : i32
      %dma_start3A_93 = arith.constant 0 : i32
      %dma_start3A_94 = tpu.memref_slice %arg12[%dma_start3A_92, %dma_start3A_93] : memref<88x128xf32, #tpu.memory_space<vmem>> -> memref<9x128xf32, #tpu.memory_space<vmem>>
      tpu.enqueue_dma source(%dma_start3A_94 : memref<9x128xf32, #tpu.memory_space<vmem>>) target(%dma_start3A_91 : memref<9x128xf32, #tpu.memory_space<vmem_shared>>) target_semaphore(%run_scoped3A : memref<!tpu.dma_semaphore, #tpu.memory_space<semaphore_mem>>)
      %dma_wait3A_95 = arith.constant 0 : i32
      %dma_wait3A_96 = arith.constant 0 : i32
      %dma_wait3A_97 = tpu.memref_slice %arg12[%dma_wait3A_95, %dma_wait3A_96] : memref<88x128xf32, #tpu.memory_space<vmem>> -> memref<9x128xf32, #tpu.memory_space<vmem>>
      %dma_wait3A_98 = arith.constant 0 : i32
      %dma_wait3A_99 = tpu.memref_slice %arg27[%add3A_35, %dma_wait3A_98] : memref<10008x128xf32, #tpu.memory_space<vmem_shared>> -> memref<9x128xf32, #tpu.memory_space<vmem_shared>>
      %dma_wait3A_100 = arith.constant 0 : i32
      %dma_wait3A_101 = tpu.memref_slice %arg27[%add3A_35, %dma_wait3A_100] : memref<10008x128xf32, #tpu.memory_space<vmem_shared>> -> memref<9x128xf32, #tpu.memory_space<vmem_shared>>
      %dma_wait3A_102 = arith.constant 0 : i32
      %dma_wait3A_103 = arith.constant 0 : i32
      %dma_wait3A_104 = tpu.memref_slice %arg12[%dma_wait3A_102, %dma_wait3A_103] : memref<88x128xf32, #tpu.memory_space<vmem>> -> memref<9x128xf32, #tpu.memory_space<vmem>>
      tpu.wait_dma2 semaphore(%run_scoped3A : memref<!tpu.dma_semaphore, #tpu.memory_space<semaphore_mem>>) src(%dma_wait3A_104 : memref<9x128xf32, #tpu.memory_space<vmem>>) dst(%dma_wait3A_101 : memref<9x128xf32, #tpu.memory_space<vmem_shared>>)
      tpu.yield
    }) : () -> ()
    %add3A_36 = arith.constant 616 : i32
    %add3A_37 = arith.addi %mul3A_6, %add3A_36 : i32
    "tpu.region"() ({
      %run_scoped3A = tpu.sem_alloc : memref<!tpu.dma_semaphore, #tpu.memory_space<semaphore_mem>>
      %dma_start3A_85 = arith.constant 0 : i32
      %dma_start3A_86 = arith.constant 0 : i32
      %dma_start3A_87 = tpu.memref_slice %arg13[%dma_start3A_85, %dma_start3A_86] : memref<88x16xf32, #tpu.memory_space<vmem>> -> memref<9x16xf32, #tpu.memory_space<vmem>>
      %dma_start3A_88 = arith.constant 0 : i32
      %dma_start3A_89 = tpu.memref_slice %arg28[%add3A_37, %dma_start3A_88] : memref<10008x16xf32, #tpu.memory_space<vmem_shared>> -> memref<9x16xf32, #tpu.memory_space<vmem_shared>>
      %dma_start3A_90 = arith.constant 0 : i32
      %dma_start3A_91 = tpu.memref_slice %arg28[%add3A_37, %dma_start3A_90] : memref<10008x16xf32, #tpu.memory_space<vmem_shared>> -> memref<9x16xf32, #tpu.memory_space<vmem_shared>>
      %dma_start3A_92 = arith.constant 0 : i32
      %dma_start3A_93 = arith.constant 0 : i32
      %dma_start3A_94 = tpu.memref_slice %arg13[%dma_start3A_92, %dma_start3A_93] : memref<88x16xf32, #tpu.memory_space<vmem>> -> memref<9x16xf32, #tpu.memory_space<vmem>>
      tpu.enqueue_dma source(%dma_start3A_94 : memref<9x16xf32, #tpu.memory_space<vmem>>) target(%dma_start3A_91 : memref<9x16xf32, #tpu.memory_space<vmem_shared>>) target_semaphore(%run_scoped3A : memref<!tpu.dma_semaphore, #tpu.memory_space<semaphore_mem>>)
      %dma_wait3A_95 = arith.constant 0 : i32
      %dma_wait3A_96 = arith.constant 0 : i32
      %dma_wait3A_97 = tpu.memref_slice %arg13[%dma_wait3A_95, %dma_wait3A_96] : memref<88x16xf32, #tpu.memory_space<vmem>> -> memref<9x16xf32, #tpu.memory_space<vmem>>
      %dma_wait3A_98 = arith.constant 0 : i32
      %dma_wait3A_99 = tpu.memref_slice %arg28[%add3A_37, %dma_wait3A_98] : memref<10008x16xf32, #tpu.memory_space<vmem_shared>> -> memref<9x16xf32, #tpu.memory_space<vmem_shared>>
      %dma_wait3A_100 = arith.constant 0 : i32
      %dma_wait3A_101 = tpu.memref_slice %arg28[%add3A_37, %dma_wait3A_100] : memref<10008x16xf32, #tpu.memory_space<vmem_shared>> -> memref<9x16xf32, #tpu.memory_space<vmem_shared>>
      %dma_wait3A_102 = arith.constant 0 : i32
      %dma_wait3A_103 = arith.constant 0 : i32
      %dma_wait3A_104 = tpu.memref_slice %arg13[%dma_wait3A_102, %dma_wait3A_103] : memref<88x16xf32, #tpu.memory_space<vmem>> -> memref<9x16xf32, #tpu.memory_space<vmem>>
      tpu.wait_dma2 semaphore(%run_scoped3A : memref<!tpu.dma_semaphore, #tpu.memory_space<semaphore_mem>>) src(%dma_wait3A_104 : memref<9x16xf32, #tpu.memory_space<vmem>>) dst(%dma_wait3A_101 : memref<9x16xf32, #tpu.memory_space<vmem_shared>>)
      tpu.yield
    }) : () -> ()
    %barrier3A = arith.constant 0 : index
    tpu.barrier barrier_id(%barrier3A)
    %add3A_38 = arith.constant 0 : i32
    %add3A_39 = arith.addi %arg1, %add3A_38 : i32
    %mul3A_40 = arith.constant 88 : i32
    %mul3A_41 = arith.muli %add3A_39, %mul3A_40 : i32
    %multiple_of3A = tpu.assume_multiple %mul3A_41, 88 : i32
    %dma_start3A = tpu.memref_slice %arg5[%multiple_of3A] : memref<160512xi32, #tpu.memory_space<hbm>> -> memref<88xi32, #tpu.memory_space<hbm>>
    %dma_start3A_42 = tpu.memref_slice %arg5[%multiple_of3A] : memref<160512xi32, #tpu.memory_space<hbm>> -> memref<88xi32, #tpu.memory_space<hbm>>
    tpu.enqueue_dma source(%dma_start3A_42 : memref<88xi32, #tpu.memory_space<hbm>>) target(%arg9 : memref<88xi32, #tpu.memory_space<vmem>>) target_semaphore(%arg15 : memref<!tpu.dma_semaphore, #tpu.memory_space<semaphore_mem>>)
    %dma_start3A_43 = tpu.memref_slice %arg6[%multiple_of3A] : memref<160512xi32, #tpu.memory_space<hbm>> -> memref<88xi32, #tpu.memory_space<hbm>>
    %dma_start3A_44 = tpu.memref_slice %arg6[%multiple_of3A] : memref<160512xi32, #tpu.memory_space<hbm>> -> memref<88xi32, #tpu.memory_space<hbm>>
    tpu.enqueue_dma source(%dma_start3A_44 : memref<88xi32, #tpu.memory_space<hbm>>) target(%arg10 : memref<88xi32, #tpu.memory_space<vmem>>) target_semaphore(%arg15 : memref<!tpu.dma_semaphore, #tpu.memory_space<semaphore_mem>>)
    %dma_wait3A = arith.constant 0 : i32
    %dma_wait3A_45 = tpu.memref_slice %arg5[%dma_wait3A] : memref<160512xi32, #tpu.memory_space<hbm>> -> memref<88xi32, #tpu.memory_space<hbm>>
    %dma_wait3A_46 = arith.constant 0 : i32
    %dma_wait3A_47 = tpu.memref_slice %arg5[%dma_wait3A_46] : memref<160512xi32, #tpu.memory_space<hbm>> -> memref<88xi32, #tpu.memory_space<hbm>>
    tpu.wait_dma2 semaphore(%arg15 : memref<!tpu.dma_semaphore, #tpu.memory_space<semaphore_mem>>) src(%dma_wait3A_47 : memref<88xi32, #tpu.memory_space<hbm>>) dst(%arg9 : memref<88xi32, #tpu.memory_space<vmem>>)
    %dma_wait3A_48 = arith.constant 0 : i32
    %dma_wait3A_49 = tpu.memref_slice %arg6[%dma_wait3A_48] : memref<160512xi32, #tpu.memory_space<hbm>> -> memref<88xi32, #tpu.memory_space<hbm>>
    %dma_wait3A_50 = arith.constant 0 : i32
    %dma_wait3A_51 = tpu.memref_slice %arg6[%dma_wait3A_50] : memref<160512xi32, #tpu.memory_space<hbm>> -> memref<88xi32, #tpu.memory_space<hbm>>
    tpu.wait_dma2 semaphore(%arg15 : memref<!tpu.dma_semaphore, #tpu.memory_space<semaphore_mem>>) src(%dma_wait3A_51 : memref<88xi32, #tpu.memory_space<hbm>>) dst(%arg10 : memref<88xi32, #tpu.memory_space<vmem>>)
    %dma_start3A_52 = arith.constant 0 : i32
    %dma_start3A_53 = arith.constant 0 : i32
    %dma_start3A_54 = tpu.memref_slice %arg2[%arg0, %dma_start3A_52, %dma_start3A_53] : memref<2x10000x128xbf16, #tpu.memory_space<hbm>> -> memref<1x10000x128xbf16, #tpu.memory_space<hbm>>
    %dma_start3A_55 = tpu.memref_squeeze %dma_start3A_54 : memref<1x10000x128xbf16, #tpu.memory_space<hbm>> -> memref<10000x128xbf16, #tpu.memory_space<hbm>>
    %dma_start3A_56 = arith.constant 0 : i32
    %dma_start3A_57 = arith.constant 0 : i32
    %dma_start3A_58 = tpu.memref_slice %dma_start3A_55[%dma_start3A_56, %dma_start3A_57] : memref<10000x128xbf16, #tpu.memory_space<hbm>> -> memref<10000x128xbf16, #tpu.memory_space<hbm>>
    tpu.enqueue_indirect_dma source(%dma_start3A_58 : memref<10000x128xbf16, #tpu.memory_space<hbm>>) target(%arg11 : memref<88x128xbf16, #tpu.memory_space<vmem>>) offsets(%arg9 : memref<88xi32, #tpu.memory_space<vmem>>) semaphore(%arg16 : memref<!tpu.dma_semaphore, #tpu.memory_space<semaphore_mem>>)
    %dma_start3A_59 = arith.constant 0 : i32
    %dma_start3A_60 = arith.constant 0 : i32
    %dma_start3A_61 = tpu.memref_slice %arg3[%arg0, %dma_start3A_59, %dma_start3A_60] : memref<2x10000x16xf32, #tpu.memory_space<hbm>> -> memref<1x10000x16xf32, #tpu.memory_space<hbm>>
    %dma_start3A_62 = tpu.memref_squeeze %dma_start3A_61 : memref<1x10000x16xf32, #tpu.memory_space<hbm>> -> memref<10000x16xf32, #tpu.memory_space<hbm>>
    %dma_start3A_63 = arith.constant 0 : i32
    %dma_start3A_64 = arith.constant 0 : i32
    %dma_start3A_65 = tpu.memref_slice %dma_start3A_62[%dma_start3A_63, %dma_start3A_64] : memref<10000x16xf32, #tpu.memory_space<hbm>> -> memref<10000x16xf32, #tpu.memory_space<hbm>>
    tpu.enqueue_indirect_dma source(%dma_start3A_65 : memref<10000x16xf32, #tpu.memory_space<hbm>>) target(%arg13 : memref<88x16xf32, #tpu.memory_space<vmem>>) offsets(%arg9 : memref<88xi32, #tpu.memory_space<vmem>>) semaphore(%arg16 : memref<!tpu.dma_semaphore, #tpu.memory_space<semaphore_mem>>)
    %dma_start3A_66 = arith.constant 0 : i32
    %dma_start3A_67 = arith.constant 0 : i32
    %dma_start3A_68 = tpu.memref_slice %arg4[%arg0, %dma_start3A_66, %dma_start3A_67] : memref<2x10008x16xf32, #tpu.memory_space<hbm>> -> memref<1x10008x16xf32, #tpu.memory_space<hbm>>
    %dma_start3A_69 = tpu.memref_squeeze %dma_start3A_68 : memref<1x10008x16xf32, #tpu.memory_space<hbm>> -> memref<10008x16xf32, #tpu.memory_space<hbm>>
    %dma_start3A_70 = arith.constant 0 : i32
    %dma_start3A_71 = arith.constant 0 : i32
    %dma_start3A_72 = tpu.memref_slice %dma_start3A_69[%dma_start3A_70, %dma_start3A_71] : memref<10008x16xf32, #tpu.memory_space<hbm>> -> memref<10008x16xf32, #tpu.memory_space<hbm>>
    tpu.enqueue_indirect_dma source(%dma_start3A_72 : memref<10008x16xf32, #tpu.memory_space<hbm>>) target(%arg14 : memref<88x16xf32, #tpu.memory_space<vmem>>) offsets(%arg10 : memref<88xi32, #tpu.memory_space<vmem>>) semaphore(%arg16 : memref<!tpu.dma_semaphore, #tpu.memory_space<semaphore_mem>>)
    %scan3A_73 = arith.constant 0 : i32
    %scan3A_74 = arith.constant 57 : i32
    %scan3A_75 = arith.addi %scan3A_73, %scan3A_74 : i32
    %scan3A_76 = arith.constant 1 : i32
    scf.for %scan3A_85 = %scan3A_73 to %scan3A_75 step %scan3A_76  : i32 {
      %mul3A_86 = arith.constant 2 : i32
      %mul3A_87 = arith.muli %scan3A_85, %mul3A_86 : i32
      %add3A_88 = arith.constant 0 : i32
      %add3A_89 = arith.addi %add3A_88, %mul3A_87 : i32
      %gt3A = arith.constant 0 : i32
      %gt3A_90 = arith.cmpi sgt, %add3A_89, %gt3A : i32
      %convert_element_type3A = arith.extui %gt3A_90 : i1 to i32
      %cond3A = arith.constant 0 : i32
      %cond3A_91 = arith.cmpi ne, %convert_element_type3A, %cond3A : i32
      scf.if %cond3A_91 {
        %dma_wait3A_208 = arith.constant 0 : i32
        %dma_wait3A_209 = arith.constant 0 : i32
        %dma_wait3A_210 = tpu.memref_slice %arg27[%dma_wait3A_208, %dma_wait3A_209] : memref<10008x128xf32, #tpu.memory_space<vmem_shared>> -> memref<10008x128xf32, #tpu.memory_space<vmem_shared>>
        tpu.wait_indirect_dma semaphore(%arg26 : memref<!tpu.dma_semaphore, #tpu.memory_space<semaphore_mem>>) src(%arg21 : memref<88x128xf32, #tpu.memory_space<vmem>>) dst(%dma_wait3A_210 : memref<10008x128xf32, #tpu.memory_space<vmem_shared>>)
        %dma_wait3A_211 = arith.constant 0 : i32
        %dma_wait3A_212 = arith.constant 0 : i32
        %dma_wait3A_213 = tpu.memref_slice %arg28[%dma_wait3A_211, %dma_wait3A_212] : memref<10008x16xf32, #tpu.memory_space<vmem_shared>> -> memref<10008x16xf32, #tpu.memory_space<vmem_shared>>
        tpu.wait_indirect_dma semaphore(%arg26 : memref<!tpu.dma_semaphore, #tpu.memory_space<semaphore_mem>>) src(%arg22 : memref<88x16xf32, #tpu.memory_space<vmem>>) dst(%dma_wait3A_213 : memref<10008x16xf32, #tpu.memory_space<vmem_shared>>)
      } else {
      }
      %add3A_92 = arith.constant 1 : i32
      %add3A_93 = arith.addi %add3A_89, %add3A_92 : i32
      %mul3A_94 = arith.constant 16 : i32
      %mul3A_95 = arith.muli %mul3A_94, %add3A_93 : i32
      %add3A_96 = arith.addi %arg1, %mul3A_95 : i32
      %mul3A_97 = arith.constant 88 : i32
      %mul3A_98 = arith.muli %add3A_96, %mul3A_97 : i32
      %multiple_of3A_99 = tpu.assume_multiple %mul3A_98, 88 : i32
      %dma_start3A_100 = tpu.memref_slice %arg5[%multiple_of3A_99] : memref<160512xi32, #tpu.memory_space<hbm>> -> memref<88xi32, #tpu.memory_space<hbm>>
      %dma_start3A_101 = tpu.memref_slice %arg5[%multiple_of3A_99] : memref<160512xi32, #tpu.memory_space<hbm>> -> memref<88xi32, #tpu.memory_space<hbm>>
      tpu.enqueue_dma source(%dma_start3A_101 : memref<88xi32, #tpu.memory_space<hbm>>) target(%arg18 : memref<88xi32, #tpu.memory_space<vmem>>) target_semaphore(%arg24 : memref<!tpu.dma_semaphore, #tpu.memory_space<semaphore_mem>>)
      %dma_start3A_102 = tpu.memref_slice %arg6[%multiple_of3A_99] : memref<160512xi32, #tpu.memory_space<hbm>> -> memref<88xi32, #tpu.memory_space<hbm>>
      %dma_start3A_103 = tpu.memref_slice %arg6[%multiple_of3A_99] : memref<160512xi32, #tpu.memory_space<hbm>> -> memref<88xi32, #tpu.memory_space<hbm>>
      tpu.enqueue_dma source(%dma_start3A_103 : memref<88xi32, #tpu.memory_space<hbm>>) target(%arg19 : memref<88xi32, #tpu.memory_space<vmem>>) target_semaphore(%arg24 : memref<!tpu.dma_semaphore, #tpu.memory_space<semaphore_mem>>)
      %dma_wait3A_104 = arith.constant 0 : i32
      %dma_wait3A_105 = arith.constant 0 : i32
      %dma_wait3A_106 = tpu.memref_slice %arg2[%arg0, %dma_wait3A_104, %dma_wait3A_105] : memref<2x10000x128xbf16, #tpu.memory_space<hbm>> -> memref<1x10000x128xbf16, #tpu.memory_space<hbm>>
      %dma_wait3A_107 = tpu.memref_squeeze %dma_wait3A_106 : memref<1x10000x128xbf16, #tpu.memory_space<hbm>> -> memref<10000x128xbf16, #tpu.memory_space<hbm>>
      %dma_wait3A_108 = arith.constant 0 : i32
      %dma_wait3A_109 = arith.constant 0 : i32
      %dma_wait3A_110 = tpu.memref_slice %dma_wait3A_107[%dma_wait3A_108, %dma_wait3A_109] : memref<10000x128xbf16, #tpu.memory_space<hbm>> -> memref<10000x128xbf16, #tpu.memory_space<hbm>>
      tpu.wait_indirect_dma semaphore(%arg16 : memref<!tpu.dma_semaphore, #tpu.memory_space<semaphore_mem>>) src(%dma_wait3A_110 : memref<10000x128xbf16, #tpu.memory_space<hbm>>) dst(%arg11 : memref<88x128xbf16, #tpu.memory_space<vmem>>)
      %dma_wait3A_111 = arith.constant 0 : i32
      %dma_wait3A_112 = arith.constant 0 : i32
      %dma_wait3A_113 = tpu.memref_slice %arg3[%arg0, %dma_wait3A_111, %dma_wait3A_112] : memref<2x10000x16xf32, #tpu.memory_space<hbm>> -> memref<1x10000x16xf32, #tpu.memory_space<hbm>>
      %dma_wait3A_114 = tpu.memref_squeeze %dma_wait3A_113 : memref<1x10000x16xf32, #tpu.memory_space<hbm>> -> memref<10000x16xf32, #tpu.memory_space<hbm>>
      %dma_wait3A_115 = arith.constant 0 : i32
      %dma_wait3A_116 = arith.constant 0 : i32
      %dma_wait3A_117 = tpu.memref_slice %dma_wait3A_114[%dma_wait3A_115, %dma_wait3A_116] : memref<10000x16xf32, #tpu.memory_space<hbm>> -> memref<10000x16xf32, #tpu.memory_space<hbm>>
      tpu.wait_indirect_dma semaphore(%arg16 : memref<!tpu.dma_semaphore, #tpu.memory_space<semaphore_mem>>) src(%dma_wait3A_117 : memref<10000x16xf32, #tpu.memory_space<hbm>>) dst(%arg13 : memref<88x16xf32, #tpu.memory_space<vmem>>)
      %dma_wait3A_118 = arith.constant 0 : i32
      %dma_wait3A_119 = arith.constant 0 : i32
      %dma_wait3A_120 = tpu.memref_slice %arg4[%arg0, %dma_wait3A_118, %dma_wait3A_119] : memref<2x10008x16xf32, #tpu.memory_space<hbm>> -> memref<1x10008x16xf32, #tpu.memory_space<hbm>>
      %dma_wait3A_121 = tpu.memref_squeeze %dma_wait3A_120 : memref<1x10008x16xf32, #tpu.memory_space<hbm>> -> memref<10008x16xf32, #tpu.memory_space<hbm>>
      %dma_wait3A_122 = arith.constant 0 : i32
      %dma_wait3A_123 = arith.constant 0 : i32
      %dma_wait3A_124 = tpu.memref_slice %dma_wait3A_121[%dma_wait3A_122, %dma_wait3A_123] : memref<10008x16xf32, #tpu.memory_space<hbm>> -> memref<10008x16xf32, #tpu.memory_space<hbm>>
      tpu.wait_indirect_dma semaphore(%arg16 : memref<!tpu.dma_semaphore, #tpu.memory_space<semaphore_mem>>) src(%dma_wait3A_124 : memref<10008x16xf32, #tpu.memory_space<hbm>>) dst(%arg14 : memref<88x16xf32, #tpu.memory_space<vmem>>)
      %parallel_loop3A = arith.constant 0 : i32
      %parallel_loop3A_125 = arith.constant 88 : i32
      %parallel_loop3A_126 = arith.constant 1 : i32
      scf.for %parallel_loop3A_208 = %parallel_loop3A to %parallel_loop3A_125 step %parallel_loop3A_126  : i32 {
        %parallel_loop3A_209 = arith.index_cast %parallel_loop3A_208 : i32 to index
        %parallel_loop3A_210 = arith.constant 0 : index
        %parallel_loop3A_211 = tpu.vector_load %arg13[%parallel_loop3A_209, %parallel_loop3A_210] {strides = array<i32>} : memref<88x16xf32, #tpu.memory_space<vmem>>, vector<16xf32>,
        %parallel_loop3A_212 = arith.index_cast %parallel_loop3A_208 : i32 to index
        %parallel_loop3A_213 = arith.constant 0 : index
        %parallel_loop3A_214 = tpu.vector_load %arg14[%parallel_loop3A_212, %parallel_loop3A_213] {strides = array<i32>} : memref<88x16xf32, #tpu.memory_space<vmem>>, vector<16xf32>,
        %parallel_loop3A_215 = arith.addf %parallel_loop3A_211, %parallel_loop3A_214 : vector<16xf32>
        %parallel_loop3A_216 = arith.constant 2.000000e-01 : f32
        %parallel_loop3A_217 = vector.broadcast %parallel_loop3A_216 : f32 to vector<16xf32>
        %parallel_loop3A_218 = arith.mulf %parallel_loop3A_217, %parallel_loop3A_215 : vector<16xf32>
        %parallel_loop3A_219 = arith.maximumf %parallel_loop3A_215, %parallel_loop3A_218 : vector<16xf32>
        %parallel_loop3A_220 = math.exp %parallel_loop3A_219 : vector<16xf32>
        %parallel_loop3A_221 = arith.index_cast %parallel_loop3A_208 : i32 to index
        %parallel_loop3A_222 = arith.constant 0 : index
        %parallel_loop3A_223 = tpu.vector_load %arg11[%parallel_loop3A_221, %parallel_loop3A_222] {strides = array<i32>} : memref<88x128xbf16, #tpu.memory_space<vmem>>, vector<32xbf16>,
        %parallel_loop3A_224 = tpu.unpack_subelements %parallel_loop3A_223, 0 {pack_format = #tpu.pack_format<interleaved>} : vector<32xbf16> -> vector<16xf32>
        %parallel_loop3A_225 = tpu.unpack_subelements %parallel_loop3A_223, 1 {pack_format = #tpu.pack_format<interleaved>} : vector<32xbf16> -> vector<16xf32>
        %parallel_loop3A_226 = arith.mulf %parallel_loop3A_224, %parallel_loop3A_220 : vector<16xf32>
        %parallel_loop3A_227 = arith.index_cast %parallel_loop3A_208 : i32 to index
        %parallel_loop3A_228 = arith.constant 0 : index
        %parallel_loop3A_229 = tpu.vector_load %arg12[%parallel_loop3A_227, %parallel_loop3A_228] {strides = array<i32>} : memref<88x128xf32, #tpu.memory_space<vmem>>, vector<16xf32>,
        tpu.vector_store %arg12[%parallel_loop3A_227, %parallel_loop3A_228], %parallel_loop3A_226 {strides = array<i32>} : memref<88x128xf32, #tpu.memory_space<vmem>>, vector<16xf32>,
        %parallel_loop3A_230 = arith.mulf %parallel_loop3A_225, %parallel_loop3A_220 : vector<16xf32>
        %parallel_loop3A_231 = arith.index_cast %parallel_loop3A_208 : i32 to index
        %parallel_loop3A_232 = arith.constant 16 : index
        %parallel_loop3A_233 = tpu.vector_load %arg12[%parallel_loop3A_231, %parallel_loop3A_232] {strides = array<i32>} : memref<88x128xf32, #tpu.memory_space<vmem>>, vector<16xf32>,
        tpu.vector_store %arg12[%parallel_loop3A_231, %parallel_loop3A_232], %parallel_loop3A_230 {strides = array<i32>} : memref<88x128xf32, #tpu.memory_space<vmem>>, vector<16xf32>,
        %parallel_loop3A_234 = arith.index_cast %parallel_loop3A_208 : i32 to index
        %parallel_loop3A_235 = arith.constant 32 : index
        %parallel_loop3A_236 = tpu.vector_load %arg11[%parallel_loop3A_234, %parallel_loop3A_235] {strides = array<i32>} : memref<88x128xbf16, #tpu.memory_space<vmem>>, vector<32xbf16>,
        %parallel_loop3A_237 = tpu.unpack_subelements %parallel_loop3A_236, 0 {pack_format = #tpu.pack_format<interleaved>} : vector<32xbf16> -> vector<16xf32>
        %parallel_loop3A_238 = tpu.unpack_subelements %parallel_loop3A_236, 1 {pack_format = #tpu.pack_format<interleaved>} : vector<32xbf16> -> vector<16xf32>
        %parallel_loop3A_239 = arith.mulf %parallel_loop3A_237, %parallel_loop3A_220 : vector<16xf32>
        %parallel_loop3A_240 = arith.index_cast %parallel_loop3A_208 : i32 to index
        %parallel_loop3A_241 = arith.constant 32 : index
        %parallel_loop3A_242 = tpu.vector_load %arg12[%parallel_loop3A_240, %parallel_loop3A_241] {strides = array<i32>} : memref<88x128xf32, #tpu.memory_space<vmem>>, vector<16xf32>,
        tpu.vector_store %arg12[%parallel_loop3A_240, %parallel_loop3A_241], %parallel_loop3A_239 {strides = array<i32>} : memref<88x128xf32, #tpu.memory_space<vmem>>, vector<16xf32>,
        %parallel_loop3A_243 = arith.mulf %parallel_loop3A_238, %parallel_loop3A_220 : vector<16xf32>
        %parallel_loop3A_244 = arith.index_cast %parallel_loop3A_208 : i32 to index
        %parallel_loop3A_245 = arith.constant 48 : index
        %parallel_loop3A_246 = tpu.vector_load %arg12[%parallel_loop3A_244, %parallel_loop3A_245] {strides = array<i32>} : memref<88x128xf32, #tpu.memory_space<vmem>>, vector<16xf32>,
        tpu.vector_store %arg12[%parallel_loop3A_244, %parallel_loop3A_245], %parallel_loop3A_243 {strides = array<i32>} : memref<88x128xf32, #tpu.memory_space<vmem>>, vector<16xf32>,
        %parallel_loop3A_247 = arith.index_cast %parallel_loop3A_208 : i32 to index
        %parallel_loop3A_248 = arith.constant 64 : index
        %parallel_loop3A_249 = tpu.vector_load %arg11[%parallel_loop3A_247, %parallel_loop3A_248] {strides = array<i32>} : memref<88x128xbf16, #tpu.memory_space<vmem>>, vector<32xbf16>,
        %parallel_loop3A_250 = tpu.unpack_subelements %parallel_loop3A_249, 0 {pack_format = #tpu.pack_format<interleaved>} : vector<32xbf16> -> vector<16xf32>
        %parallel_loop3A_251 = tpu.unpack_subelements %parallel_loop3A_249, 1 {pack_format = #tpu.pack_format<interleaved>} : vector<32xbf16> -> vector<16xf32>
        %parallel_loop3A_252 = arith.mulf %parallel_loop3A_250, %parallel_loop3A_220 : vector<16xf32>
        %parallel_loop3A_253 = arith.index_cast %parallel_loop3A_208 : i32 to index
        %parallel_loop3A_254 = arith.constant 64 : index
        %parallel_loop3A_255 = tpu.vector_load %arg12[%parallel_loop3A_253, %parallel_loop3A_254] {strides = array<i32>} : memref<88x128xf32, #tpu.memory_space<vmem>>, vector<16xf32>,
        tpu.vector_store %arg12[%parallel_loop3A_253, %parallel_loop3A_254], %parallel_loop3A_252 {strides = array<i32>} : memref<88x128xf32, #tpu.memory_space<vmem>>, vector<16xf32>,
        %parallel_loop3A_256 = arith.mulf %parallel_loop3A_251, %parallel_loop3A_220 : vector<16xf32>
        %parallel_loop3A_257 = arith.index_cast %parallel_loop3A_208 : i32 to index
        %parallel_loop3A_258 = arith.constant 80 : index
        %parallel_loop3A_259 = tpu.vector_load %arg12[%parallel_loop3A_257, %parallel_loop3A_258] {strides = array<i32>} : memref<88x128xf32, #tpu.memory_space<vmem>>, vector<16xf32>,
        tpu.vector_store %arg12[%parallel_loop3A_257, %parallel_loop3A_258], %parallel_loop3A_256 {strides = array<i32>} : memref<88x128xf32, #tpu.memory_space<vmem>>, vector<16xf32>,
        %parallel_loop3A_260 = arith.index_cast %parallel_loop3A_208 : i32 to index
        %parallel_loop3A_261 = arith.constant 96 : index
        %parallel_loop3A_262 = tpu.vector_load %arg11[%parallel_loop3A_260, %parallel_loop3A_261] {strides = array<i32>} : memref<88x128xbf16, #tpu.memory_space<vmem>>, vector<32xbf16>,
        %parallel_loop3A_263 = tpu.unpack_subelements %parallel_loop3A_262, 0 {pack_format = #tpu.pack_format<interleaved>} : vector<32xbf16> -> vector<16xf32>
        %parallel_loop3A_264 = tpu.unpack_subelements %parallel_loop3A_262, 1 {pack_format = #tpu.pack_format<interleaved>} : vector<32xbf16> -> vector<16xf32>
        %parallel_loop3A_265 = arith.mulf %parallel_loop3A_263, %parallel_loop3A_220 : vector<16xf32>
        %parallel_loop3A_266 = arith.index_cast %parallel_loop3A_208 : i32 to index
        %parallel_loop3A_267 = arith.constant 96 : index
        %parallel_loop3A_268 = tpu.vector_load %arg12[%parallel_loop3A_266, %parallel_loop3A_267] {strides = array<i32>} : memref<88x128xf32, #tpu.memory_space<vmem>>, vector<16xf32>,
        tpu.vector_store %arg12[%parallel_loop3A_266, %parallel_loop3A_267], %parallel_loop3A_265 {strides = array<i32>} : memref<88x128xf32, #tpu.memory_space<vmem>>, vector<16xf32>,
        %parallel_loop3A_269 = arith.mulf %parallel_loop3A_264, %parallel_loop3A_220 : vector<16xf32>
        %parallel_loop3A_270 = arith.index_cast %parallel_loop3A_208 : i32 to index
        %parallel_loop3A_271 = arith.constant 112 : index
        %parallel_loop3A_272 = tpu.vector_load %arg12[%parallel_loop3A_270, %parallel_loop3A_271] {strides = array<i32>} : memref<88x128xf32, #tpu.memory_space<vmem>>, vector<16xf32>,
        tpu.vector_store %arg12[%parallel_loop3A_270, %parallel_loop3A_271], %parallel_loop3A_269 {strides = array<i32>} : memref<88x128xf32, #tpu.memory_space<vmem>>, vector<16xf32>,
        %parallel_loop3A_273 = arith.index_cast %parallel_loop3A_208 : i32 to index
        %parallel_loop3A_274 = arith.constant 0 : index
        %parallel_loop3A_275 = tpu.vector_load %arg13[%parallel_loop3A_273, %parallel_loop3A_274] {strides = array<i32>} : memref<88x16xf32, #tpu.memory_space<vmem>>, vector<16xf32>,
        tpu.vector_store %arg13[%parallel_loop3A_273, %parallel_loop3A_274], %parallel_loop3A_220 {strides = array<i32>} : memref<88x16xf32, #tpu.memory_space<vmem>>, vector<16xf32>,
      } {sc.loop_unroll_factor = 4 : i64, sc.parallel_access}
      %dma_start3A_127 = arith.constant 0 : i32
      %dma_start3A_128 = arith.constant 0 : i32
      %dma_start3A_129 = tpu.memref_slice %arg27[%dma_start3A_127, %dma_start3A_128] : memref<10008x128xf32, #tpu.memory_space<vmem_shared>> -> memref<10008x128xf32, #tpu.memory_space<vmem_shared>>
      tpu.enqueue_indirect_dma source(%arg12 : memref<88x128xf32, #tpu.memory_space<vmem>>) target(%dma_start3A_129 : memref<10008x128xf32, #tpu.memory_space<vmem_shared>>) offsets(%arg10 : memref<88xi32, #tpu.memory_space<vmem>>) semaphore(%arg17 : memref<!tpu.dma_semaphore, #tpu.memory_space<semaphore_mem>>) {add = true}
      %dma_start3A_130 = arith.constant 0 : i32
      %dma_start3A_131 = arith.constant 0 : i32
      %dma_start3A_132 = tpu.memref_slice %arg28[%dma_start3A_130, %dma_start3A_131] : memref<10008x16xf32, #tpu.memory_space<vmem_shared>> -> memref<10008x16xf32, #tpu.memory_space<vmem_shared>>
      tpu.enqueue_indirect_dma source(%arg13 : memref<88x16xf32, #tpu.memory_space<vmem>>) target(%dma_start3A_132 : memref<10008x16xf32, #tpu.memory_space<vmem_shared>>) offsets(%arg10 : memref<88xi32, #tpu.memory_space<vmem>>) semaphore(%arg17 : memref<!tpu.dma_semaphore, #tpu.memory_space<semaphore_mem>>) {add = true}
      %dma_wait3A_133 = arith.constant 0 : i32
      %dma_wait3A_134 = tpu.memref_slice %arg5[%dma_wait3A_133] : memref<160512xi32, #tpu.memory_space<hbm>> -> memref<88xi32, #tpu.memory_space<hbm>>
      %dma_wait3A_135 = arith.constant 0 : i32
      %dma_wait3A_136 = tpu.memref_slice %arg5[%dma_wait3A_135] : memref<160512xi32, #tpu.memory_space<hbm>> -> memref<88xi32, #tpu.memory_space<hbm>>
      tpu.wait_dma2 semaphore(%arg24 : memref<!tpu.dma_semaphore, #tpu.memory_space<semaphore_mem>>) src(%dma_wait3A_136 : memref<88xi32, #tpu.memory_space<hbm>>) dst(%arg18 : memref<88xi32, #tpu.memory_space<vmem>>)
      %dma_wait3A_137 = arith.constant 0 : i32
      %dma_wait3A_138 = tpu.memref_slice %arg6[%dma_wait3A_137] : memref<160512xi32, #tpu.memory_space<hbm>> -> memref<88xi32, #tpu.memory_space<hbm>>
      %dma_wait3A_139 = arith.constant 0 : i32
      %dma_wait3A_140 = tpu.memref_slice %arg6[%dma_wait3A_139] : memref<160512xi32, #tpu.memory_space<hbm>> -> memref<88xi32, #tpu.memory_space<hbm>>
      tpu.wait_dma2 semaphore(%arg24 : memref<!tpu.dma_semaphore, #tpu.memory_space<semaphore_mem>>) src(%dma_wait3A_140 : memref<88xi32, #tpu.memory_space<hbm>>) dst(%arg19 : memref<88xi32, #tpu.memory_space<vmem>>)
      %dma_start3A_141 = arith.constant 0 : i32
      %dma_start3A_142 = arith.constant 0 : i32
      %dma_start3A_143 = tpu.memref_slice %arg2[%arg0, %dma_start3A_141, %dma_start3A_142] : memref<2x10000x128xbf16, #tpu.memory_space<hbm>> -> memref<1x10000x128xbf16, #tpu.memory_space<hbm>>
      %dma_start3A_144 = tpu.memref_squeeze %dma_start3A_143 : memref<1x10000x128xbf16, #tpu.memory_space<hbm>> -> memref<10000x128xbf16, #tpu.memory_space<hbm>>
      %dma_start3A_145 = arith.constant 0 : i32
      %dma_start3A_146 = arith.constant 0 : i32
      %dma_start3A_147 = tpu.memref_slice %dma_start3A_144[%dma_start3A_145, %dma_start3A_146] : memref<10000x128xbf16, #tpu.memory_space<hbm>> -> memref<10000x128xbf16, #tpu.memory_space<hbm>>
      tpu.enqueue_indirect_dma source(%dma_start3A_147 : memref<10000x128xbf16, #tpu.memory_space<hbm>>) target(%arg20 : memref<88x128xbf16, #tpu.memory_space<vmem>>) offsets(%arg18 : memref<88xi32, #tpu.memory_space<vmem>>) semaphore(%arg25 : memref<!tpu.dma_semaphore, #tpu.memory_space<semaphore_mem>>)
      %dma_start3A_148 = arith.constant 0 : i32
      %dma_start3A_149 = arith.constant 0 : i32
      %dma_start3A_150 = tpu.memref_slice %arg3[%arg0, %dma_start3A_148, %dma_start3A_149] : memref<2x10000x16xf32, #tpu.memory_space<hbm>> -> memref<1x10000x16xf32, #tpu.memory_space<hbm>>
      %dma_start3A_151 = tpu.memref_squeeze %dma_start3A_150 : memref<1x10000x16xf32, #tpu.memory_space<hbm>> -> memref<10000x16xf32, #tpu.memory_space<hbm>>
      %dma_start3A_152 = arith.constant 0 : i32
      %dma_start3A_153 = arith.constant 0 : i32
      %dma_start3A_154 = tpu.memref_slice %dma_start3A_151[%dma_start3A_152, %dma_start3A_153] : memref<10000x16xf32, #tpu.memory_space<hbm>> -> memref<10000x16xf32, #tpu.memory_space<hbm>>
      tpu.enqueue_indirect_dma source(%dma_start3A_154 : memref<10000x16xf32, #tpu.memory_space<hbm>>) target(%arg22 : memref<88x16xf32, #tpu.memory_space<vmem>>) offsets(%arg18 : memref<88xi32, #tpu.memory_space<vmem>>) semaphore(%arg25 : memref<!tpu.dma_semaphore, #tpu.memory_space<semaphore_mem>>)
      %dma_start3A_155 = arith.constant 0 : i32
      %dma_start3A_156 = arith.constant 0 : i32
      %dma_start3A_157 = tpu.memref_slice %arg4[%arg0, %dma_start3A_155, %dma_start3A_156] : memref<2x10008x16xf32, #tpu.memory_space<hbm>> -> memref<1x10008x16xf32, #tpu.memory_space<hbm>>
      %dma_start3A_158 = tpu.memref_squeeze %dma_start3A_157 : memref<1x10008x16xf32, #tpu.memory_space<hbm>> -> memref<10008x16xf32, #tpu.memory_space<hbm>>
      %dma_start3A_159 = arith.constant 0 : i32
      %dma_start3A_160 = arith.constant 0 : i32
      %dma_start3A_161 = tpu.memref_slice %dma_start3A_158[%dma_start3A_159, %dma_start3A_160] : memref<10008x16xf32, #tpu.memory_space<hbm>> -> memref<10008x16xf32, #tpu.memory_space<hbm>>
      tpu.enqueue_indirect_dma source(%dma_start3A_161 : memref<10008x16xf32, #tpu.memory_space<hbm>>) target(%arg23 : memref<88x16xf32, #tpu.memory_space<vmem>>) offsets(%arg19 : memref<88xi32, #tpu.memory_space<vmem>>) semaphore(%arg25 : memref<!tpu.dma_semaphore, #tpu.memory_space<semaphore_mem>>)
      %add3A_162 = arith.constant 1 : i32
      %add3A_163 = arith.addi %add3A_89, %add3A_162 : i32
      %gt3A_164 = arith.constant 0 : i32
      %gt3A_165 = arith.cmpi sgt, %add3A_163, %gt3A_164 : i32
      %convert_element_type3A_166 = arith.extui %gt3A_165 : i1 to i32
      %cond3A_167 = arith.constant 0 : i32
      %cond3A_168 = arith.cmpi ne, %convert_element_type3A_166, %cond3A_167 : i32
      scf.if %cond3A_168 {
        %dma_wait3A_208 = arith.constant 0 : i32
        %dma_wait3A_209 = arith.constant 0 : i32
        %dma_wait3A_210 = tpu.memref_slice %arg27[%dma_wait3A_208, %dma_wait3A_209] : memref<10008x128xf32, #tpu.memory_space<vmem_shared>> -> memref<10008x128xf32, #tpu.memory_space<vmem_shared>>
        tpu.wait_indirect_dma semaphore(%arg17 : memref<!tpu.dma_semaphore, #tpu.memory_space<semaphore_mem>>) src(%arg12 : memref<88x128xf32, #tpu.memory_space<vmem>>) dst(%dma_wait3A_210 : memref<10008x128xf32, #tpu.memory_space<vmem_shared>>)
        %dma_wait3A_211 = arith.constant 0 : i32
        %dma_wait3A_212 = arith.constant 0 : i32
        %dma_wait3A_213 = tpu.memref_slice %arg28[%dma_wait3A_211, %dma_wait3A_212] : memref<10008x16xf32, #tpu.memory_space<vmem_shared>> -> memref<10008x16xf32, #tpu.memory_space<vmem_shared>>
        tpu.wait_indirect_dma semaphore(%arg17 : memref<!tpu.dma_semaphore, #tpu.memory_space<semaphore_mem>>) src(%arg13 : memref<88x16xf32, #tpu.memory_space<vmem>>) dst(%dma_wait3A_213 : memref<10008x16xf32, #tpu.memory_space<vmem_shared>>)
      } else {
      }
      %lt3A = arith.constant 113 : i32
      %lt3A_169 = arith.cmpi slt, %add3A_163, %lt3A : i32
      %convert_element_type3A_170 = arith.extui %lt3A_169 : i1 to i32
      %cond3A_171 = arith.constant 0 : i32
      %cond3A_172 = arith.cmpi ne, %convert_element_type3A_170, %cond3A_171 : i32
      scf.if %cond3A_172 {
        %add3A_208 = arith.constant 1 : i32
        %add3A_209 = arith.addi %add3A_163, %add3A_208 : i32
        %mul3A_210 = arith.constant 16 : i32
        %mul3A_211 = arith.muli %mul3A_210, %add3A_209 : i32
        %add3A_212 = arith.addi %arg1, %mul3A_211 : i32
        %mul3A_213 = arith.constant 88 : i32
        %mul3A_214 = arith.muli %add3A_212, %mul3A_213 : i32
        %multiple_of3A_215 = tpu.assume_multiple %mul3A_214, 88 : i32
        %dma_start3A_216 = tpu.memref_slice %arg5[%multiple_of3A_215] : memref<160512xi32, #tpu.memory_space<hbm>> -> memref<88xi32, #tpu.memory_space<hbm>>
        %dma_start3A_217 = tpu.memref_slice %arg5[%multiple_of3A_215] : memref<160512xi32, #tpu.memory_space<hbm>> -> memref<88xi32, #tpu.memory_space<hbm>>
        tpu.enqueue_dma source(%dma_start3A_217 : memref<88xi32, #tpu.memory_space<hbm>>) target(%arg9 : memref<88xi32, #tpu.memory_space<vmem>>) target_semaphore(%arg15 : memref<!tpu.dma_semaphore, #tpu.memory_space<semaphore_mem>>)
        %dma_start3A_218 = tpu.memref_slice %arg6[%multiple_of3A_215] : memref<160512xi32, #tpu.memory_space<hbm>> -> memref<88xi32, #tpu.memory_space<hbm>>
        %dma_start3A_219 = tpu.memref_slice %arg6[%multiple_of3A_215] : memref<160512xi32, #tpu.memory_space<hbm>> -> memref<88xi32, #tpu.memory_space<hbm>>
        tpu.enqueue_dma source(%dma_start3A_219 : memref<88xi32, #tpu.memory_space<hbm>>) target(%arg10 : memref<88xi32, #tpu.memory_space<vmem>>) target_semaphore(%arg15 : memref<!tpu.dma_semaphore, #tpu.memory_space<semaphore_mem>>)
      } else {
      }
      %dma_wait3A_173 = arith.constant 0 : i32
      %dma_wait3A_174 = arith.constant 0 : i32
      %dma_wait3A_175 = tpu.memref_slice %arg2[%arg0, %dma_wait3A_173, %dma_wait3A_174] : memref<2x10000x128xbf16, #tpu.memory_space<hbm>> -> memref<1x10000x128xbf16, #tpu.memory_space<hbm>>
      %dma_wait3A_176 = tpu.memref_squeeze %dma_wait3A_175 : memref<1x10000x128xbf16, #tpu.memory_space<hbm>> -> memref<10000x128xbf16, #tpu.memory_space<hbm>>
      %dma_wait3A_177 = arith.constant 0 : i32
      %dma_wait3A_178 = arith.constant 0 : i32
      %dma_wait3A_179 = tpu.memref_slice %dma_wait3A_176[%dma_wait3A_177, %dma_wait3A_178] : memref<10000x128xbf16, #tpu.memory_space<hbm>> -> memref<10000x128xbf16, #tpu.memory_space<hbm>>
      tpu.wait_indirect_dma semaphore(%arg25 : memref<!tpu.dma_semaphore, #tpu.memory_space<semaphore_mem>>) src(%dma_wait3A_179 : memref<10000x128xbf16, #tpu.memory_space<hbm>>) dst(%arg20 : memref<88x128xbf16, #tpu.memory_space<vmem>>)
      %dma_wait3A_180 = arith.constant 0 : i32
      %dma_wait3A_181 = arith.constant 0 : i32
      %dma_wait3A_182 = tpu.memref_slice %arg3[%arg0, %dma_wait3A_180, %dma_wait3A_181] : memref<2x10000x16xf32, #tpu.memory_space<hbm>> -> memref<1x10000x16xf32, #tpu.memory_space<hbm>>
      %dma_wait3A_183 = tpu.memref_squeeze %dma_wait3A_182 : memref<1x10000x16xf32, #tpu.memory_space<hbm>> -> memref<10000x16xf32, #tpu.memory_space<hbm>>
      %dma_wait3A_184 = arith.constant 0 : i32
      %dma_wait3A_185 = arith.constant 0 : i32
      %dma_wait3A_186 = tpu.memref_slice %dma_wait3A_183[%dma_wait3A_184, %dma_wait3A_185] : memref<10000x16xf32, #tpu.memory_space<hbm>> -> memref<10000x16xf32, #tpu.memory_space<hbm>>
      tpu.wait_indirect_dma semaphore(%arg25 : memref<!tpu.dma_semaphore, #tpu.memory_space<semaphore_mem>>) src(%dma_wait3A_186 : memref<10000x16xf32, #tpu.memory_space<hbm>>) dst(%arg22 : memref<88x16xf32, #tpu.memory_space<vmem>>)
      %dma_wait3A_187 = arith.constant 0 : i32
      %dma_wait3A_188 = arith.constant 0 : i32
      %dma_wait3A_189 = tpu.memref_slice %arg4[%arg0, %dma_wait3A_187, %dma_wait3A_188] : memref<2x10008x16xf32, #tpu.memory_space<hbm>> -> memref<1x10008x16xf32, #tpu.memory_space<hbm>>
      %dma_wait3A_190 = tpu.memref_squeeze %dma_wait3A_189 : memref<1x10008x16xf32, #tpu.memory_space<hbm>> -> memref<10008x16xf32, #tpu.memory_space<hbm>>
      %dma_wait3A_191 = arith.constant 0 : i32
      %dma_wait3A_192 = arith.constant 0 : i32
      %dma_wait3A_193 = tpu.memref_slice %dma_wait3A_190[%dma_wait3A_191, %dma_wait3A_192] : memref<10008x16xf32, #tpu.memory_space<hbm>> -> memref<10008x16xf32, #tpu.memory_space<hbm>>
      tpu.wait_indirect_dma semaphore(%arg25 : memref<!tpu.dma_semaphore, #tpu.memory_space<semaphore_mem>>) src(%dma_wait3A_193 : memref<10008x16xf32, #tpu.memory_space<hbm>>) dst(%arg23 : memref<88x16xf32, #tpu.memory_space<vmem>>)
      %parallel_loop3A_194 = arith.constant 0 : i32
      %parallel_loop3A_195 = arith.constant 88 : i32
      %parallel_loop3A_196 = arith.constant 1 : i32
      scf.for %parallel_loop3A_208 = %parallel_loop3A_194 to %parallel_loop3A_195 step %parallel_loop3A_196  : i32 {
        %parallel_loop3A_209 = arith.index_cast %parallel_loop3A_208 : i32 to index
        %parallel_loop3A_210 = arith.constant 0 : index
        %parallel_loop3A_211 = tpu.vector_load %arg22[%parallel_loop3A_209, %parallel_loop3A_210] {strides = array<i32>} : memref<88x16xf32, #tpu.memory_space<vmem>>, vector<16xf32>,
        %parallel_loop3A_212 = arith.index_cast %parallel_loop3A_208 : i32 to index
        %parallel_loop3A_213 = arith.constant 0 : index
        %parallel_loop3A_214 = tpu.vector_load %arg23[%parallel_loop3A_212, %parallel_loop3A_213] {strides = array<i32>} : memref<88x16xf32, #tpu.memory_space<vmem>>, vector<16xf32>,
        %parallel_loop3A_215 = arith.addf %parallel_loop3A_211, %parallel_loop3A_214 : vector<16xf32>
        %parallel_loop3A_216 = arith.constant 2.000000e-01 : f32
        %parallel_loop3A_217 = vector.broadcast %parallel_loop3A_216 : f32 to vector<16xf32>
        %parallel_loop3A_218 = arith.mulf %parallel_loop3A_217, %parallel_loop3A_215 : vector<16xf32>
        %parallel_loop3A_219 = arith.maximumf %parallel_loop3A_215, %parallel_loop3A_218 : vector<16xf32>
        %parallel_loop3A_220 = math.exp %parallel_loop3A_219 : vector<16xf32>
        %parallel_loop3A_221 = arith.index_cast %parallel_loop3A_208 : i32 to index
        %parallel_loop3A_222 = arith.constant 0 : index
        %parallel_loop3A_223 = tpu.vector_load %arg20[%parallel_loop3A_221, %parallel_loop3A_222] {strides = array<i32>} : memref<88x128xbf16, #tpu.memory_space<vmem>>, vector<32xbf16>,
        %parallel_loop3A_224 = tpu.unpack_subelements %parallel_loop3A_223, 0 {pack_format = #tpu.pack_format<interleaved>} : vector<32xbf16> -> vector<16xf32>
        %parallel_loop3A_225 = tpu.unpack_subelements %parallel_loop3A_223, 1 {pack_format = #tpu.pack_format<interleaved>} : vector<32xbf16> -> vector<16xf32>
        %parallel_loop3A_226 = arith.mulf %parallel_loop3A_224, %parallel_loop3A_220 : vector<16xf32>
        %parallel_loop3A_227 = arith.index_cast %parallel_loop3A_208 : i32 to index
        %parallel_loop3A_228 = arith.constant 0 : index
        %parallel_loop3A_229 = tpu.vector_load %arg21[%parallel_loop3A_227, %parallel_loop3A_228] {strides = array<i32>} : memref<88x128xf32, #tpu.memory_space<vmem>>, vector<16xf32>,
        tpu.vector_store %arg21[%parallel_loop3A_227, %parallel_loop3A_228], %parallel_loop3A_226 {strides = array<i32>} : memref<88x128xf32, #tpu.memory_space<vmem>>, vector<16xf32>,
        %parallel_loop3A_230 = arith.mulf %parallel_loop3A_225, %parallel_loop3A_220 : vector<16xf32>
        %parallel_loop3A_231 = arith.index_cast %parallel_loop3A_208 : i32 to index
        %parallel_loop3A_232 = arith.constant 16 : index
        %parallel_loop3A_233 = tpu.vector_load %arg21[%parallel_loop3A_231, %parallel_loop3A_232] {strides = array<i32>} : memref<88x128xf32, #tpu.memory_space<vmem>>, vector<16xf32>,
        tpu.vector_store %arg21[%parallel_loop3A_231, %parallel_loop3A_232], %parallel_loop3A_230 {strides = array<i32>} : memref<88x128xf32, #tpu.memory_space<vmem>>, vector<16xf32>,
        %parallel_loop3A_234 = arith.index_cast %parallel_loop3A_208 : i32 to index
        %parallel_loop3A_235 = arith.constant 32 : index
        %parallel_loop3A_236 = tpu.vector_load %arg20[%parallel_loop3A_234, %parallel_loop3A_235] {strides = array<i32>} : memref<88x128xbf16, #tpu.memory_space<vmem>>, vector<32xbf16>,
        %parallel_loop3A_237 = tpu.unpack_subelements %parallel_loop3A_236, 0 {pack_format = #tpu.pack_format<interleaved>} : vector<32xbf16> -> vector<16xf32>
        %parallel_loop3A_238 = tpu.unpack_subelements %parallel_loop3A_236, 1 {pack_format = #tpu.pack_format<interleaved>} : vector<32xbf16> -> vector<16xf32>
        %parallel_loop3A_239 = arith.mulf %parallel_loop3A_237, %parallel_loop3A_220 : vector<16xf32>
        %parallel_loop3A_240 = arith.index_cast %parallel_loop3A_208 : i32 to index
        %parallel_loop3A_241 = arith.constant 32 : index
        %parallel_loop3A_242 = tpu.vector_load %arg21[%parallel_loop3A_240, %parallel_loop3A_241] {strides = array<i32>} : memref<88x128xf32, #tpu.memory_space<vmem>>, vector<16xf32>,
        tpu.vector_store %arg21[%parallel_loop3A_240, %parallel_loop3A_241], %parallel_loop3A_239 {strides = array<i32>} : memref<88x128xf32, #tpu.memory_space<vmem>>, vector<16xf32>,
        %parallel_loop3A_243 = arith.mulf %parallel_loop3A_238, %parallel_loop3A_220 : vector<16xf32>
        %parallel_loop3A_244 = arith.index_cast %parallel_loop3A_208 : i32 to index
        %parallel_loop3A_245 = arith.constant 48 : index
        %parallel_loop3A_246 = tpu.vector_load %arg21[%parallel_loop3A_244, %parallel_loop3A_245] {strides = array<i32>} : memref<88x128xf32, #tpu.memory_space<vmem>>, vector<16xf32>,
        tpu.vector_store %arg21[%parallel_loop3A_244, %parallel_loop3A_245], %parallel_loop3A_243 {strides = array<i32>} : memref<88x128xf32, #tpu.memory_space<vmem>>, vector<16xf32>,
        %parallel_loop3A_247 = arith.index_cast %parallel_loop3A_208 : i32 to index
        %parallel_loop3A_248 = arith.constant 64 : index
        %parallel_loop3A_249 = tpu.vector_load %arg20[%parallel_loop3A_247, %parallel_loop3A_248] {strides = array<i32>} : memref<88x128xbf16, #tpu.memory_space<vmem>>, vector<32xbf16>,
        %parallel_loop3A_250 = tpu.unpack_subelements %parallel_loop3A_249, 0 {pack_format = #tpu.pack_format<interleaved>} : vector<32xbf16> -> vector<16xf32>
        %parallel_loop3A_251 = tpu.unpack_subelements %parallel_loop3A_249, 1 {pack_format = #tpu.pack_format<interleaved>} : vector<32xbf16> -> vector<16xf32>
        %parallel_loop3A_252 = arith.mulf %parallel_loop3A_250, %parallel_loop3A_220 : vector<16xf32>
        %parallel_loop3A_253 = arith.index_cast %parallel_loop3A_208 : i32 to index
        %parallel_loop3A_254 = arith.constant 64 : index
        %parallel_loop3A_255 = tpu.vector_load %arg21[%parallel_loop3A_253, %parallel_loop3A_254] {strides = array<i32>} : memref<88x128xf32, #tpu.memory_space<vmem>>, vector<16xf32>,
        tpu.vector_store %arg21[%parallel_loop3A_253, %parallel_loop3A_254], %parallel_loop3A_252 {strides = array<i32>} : memref<88x128xf32, #tpu.memory_space<vmem>>, vector<16xf32>,
        %parallel_loop3A_256 = arith.mulf %parallel_loop3A_251, %parallel_loop3A_220 : vector<16xf32>
        %parallel_loop3A_257 = arith.index_cast %parallel_loop3A_208 : i32 to index
        %parallel_loop3A_258 = arith.constant 80 : index
        %parallel_loop3A_259 = tpu.vector_load %arg21[%parallel_loop3A_257, %parallel_loop3A_258] {strides = array<i32>} : memref<88x128xf32, #tpu.memory_space<vmem>>, vector<16xf32>,
        tpu.vector_store %arg21[%parallel_loop3A_257, %parallel_loop3A_258], %parallel_loop3A_256 {strides = array<i32>} : memref<88x128xf32, #tpu.memory_space<vmem>>, vector<16xf32>,
        %parallel_loop3A_260 = arith.index_cast %parallel_loop3A_208 : i32 to index
        %parallel_loop3A_261 = arith.constant 96 : index
        %parallel_loop3A_262 = tpu.vector_load %arg20[%parallel_loop3A_260, %parallel_loop3A_261] {strides = array<i32>} : memref<88x128xbf16, #tpu.memory_space<vmem>>, vector<32xbf16>,
        %parallel_loop3A_263 = tpu.unpack_subelements %parallel_loop3A_262, 0 {pack_format = #tpu.pack_format<interleaved>} : vector<32xbf16> -> vector<16xf32>
        %parallel_loop3A_264 = tpu.unpack_subelements %parallel_loop3A_262, 1 {pack_format = #tpu.pack_format<interleaved>} : vector<32xbf16> -> vector<16xf32>
        %parallel_loop3A_265 = arith.mulf %parallel_loop3A_263, %parallel_loop3A_220 : vector<16xf32>
        %parallel_loop3A_266 = arith.index_cast %parallel_loop3A_208 : i32 to index
        %parallel_loop3A_267 = arith.constant 96 : index
        %parallel_loop3A_268 = tpu.vector_load %arg21[%parallel_loop3A_266, %parallel_loop3A_267] {strides = array<i32>} : memref<88x128xf32, #tpu.memory_space<vmem>>, vector<16xf32>,
        tpu.vector_store %arg21[%parallel_loop3A_266, %parallel_loop3A_267], %parallel_loop3A_265 {strides = array<i32>} : memref<88x128xf32, #tpu.memory_space<vmem>>, vector<16xf32>,
        %parallel_loop3A_269 = arith.mulf %parallel_loop3A_264, %parallel_loop3A_220 : vector<16xf32>
        %parallel_loop3A_270 = arith.index_cast %parallel_loop3A_208 : i32 to index
        %parallel_loop3A_271 = arith.constant 112 : index
        %parallel_loop3A_272 = tpu.vector_load %arg21[%parallel_loop3A_270, %parallel_loop3A_271] {strides = array<i32>} : memref<88x128xf32, #tpu.memory_space<vmem>>, vector<16xf32>,
        tpu.vector_store %arg21[%parallel_loop3A_270, %parallel_loop3A_271], %parallel_loop3A_269 {strides = array<i32>} : memref<88x128xf32, #tpu.memory_space<vmem>>, vector<16xf32>,
        %parallel_loop3A_273 = arith.index_cast %parallel_loop3A_208 : i32 to index
        %parallel_loop3A_274 = arith.constant 0 : index
        %parallel_loop3A_275 = tpu.vector_load %arg22[%parallel_loop3A_273, %parallel_loop3A_274] {strides = array<i32>} : memref<88x16xf32, #tpu.memory_space<vmem>>, vector<16xf32>,
        tpu.vector_store %arg22[%parallel_loop3A_273, %parallel_loop3A_274], %parallel_loop3A_220 {strides = array<i32>} : memref<88x16xf32, #tpu.memory_space<vmem>>, vector<16xf32>,
      } {sc.loop_unroll_factor = 4 : i64, sc.parallel_access}
      %dma_start3A_197 = arith.constant 0 : i32
      %dma_start3A_198 = arith.constant 0 : i32
      %dma_start3A_199 = tpu.memref_slice %arg27[%dma_start3A_197, %dma_start3A_198] : memref<10008x128xf32, #tpu.memory_space<vmem_shared>> -> memref<10008x128xf32, #tpu.memory_space<vmem_shared>>
      tpu.enqueue_indirect_dma source(%arg21 : memref<88x128xf32, #tpu.memory_space<vmem>>) target(%dma_start3A_199 : memref<10008x128xf32, #tpu.memory_space<vmem_shared>>) offsets(%arg19 : memref<88xi32, #tpu.memory_space<vmem>>) semaphore(%arg26 : memref<!tpu.dma_semaphore, #tpu.memory_space<semaphore_mem>>) {add = true}
      %dma_start3A_200 = arith.constant 0 : i32
      %dma_start3A_201 = arith.constant 0 : i32
      %dma_start3A_202 = tpu.memref_slice %arg28[%dma_start3A_200, %dma_start3A_201] : memref<10008x16xf32, #tpu.memory_space<vmem_shared>> -> memref<10008x16xf32, #tpu.memory_space<vmem_shared>>
      tpu.enqueue_indirect_dma source(%arg22 : memref<88x16xf32, #tpu.memory_space<vmem>>) target(%dma_start3A_202 : memref<10008x16xf32, #tpu.memory_space<vmem_shared>>) offsets(%arg19 : memref<88xi32, #tpu.memory_space<vmem>>) semaphore(%arg26 : memref<!tpu.dma_semaphore, #tpu.memory_space<semaphore_mem>>) {add = true}
      %lt3A_203 = arith.constant 113 : i32
      %lt3A_204 = arith.cmpi slt, %add3A_163, %lt3A_203 : i32
      %convert_element_type3A_205 = arith.extui %lt3A_204 : i1 to i32
      %cond3A_206 = arith.constant 0 : i32
      %cond3A_207 = arith.cmpi ne, %convert_element_type3A_205, %cond3A_206 : i32
      scf.if %cond3A_207 {
        %dma_wait3A_208 = arith.constant 0 : i32
        %dma_wait3A_209 = tpu.memref_slice %arg5[%dma_wait3A_208] : memref<160512xi32, #tpu.memory_space<hbm>> -> memref<88xi32, #tpu.memory_space<hbm>>
        %dma_wait3A_210 = arith.constant 0 : i32
        %dma_wait3A_211 = tpu.memref_slice %arg5[%dma_wait3A_210] : memref<160512xi32, #tpu.memory_space<hbm>> -> memref<88xi32, #tpu.memory_space<hbm>>
        tpu.wait_dma2 semaphore(%arg15 : memref<!tpu.dma_semaphore, #tpu.memory_space<semaphore_mem>>) src(%dma_wait3A_211 : memref<88xi32, #tpu.memory_space<hbm>>) dst(%arg9 : memref<88xi32, #tpu.memory_space<vmem>>)
        %dma_wait3A_212 = arith.constant 0 : i32
        %dma_wait3A_213 = tpu.memref_slice %arg6[%dma_wait3A_212] : memref<160512xi32, #tpu.memory_space<hbm>> -> memref<88xi32, #tpu.memory_space<hbm>>
        %dma_wait3A_214 = arith.constant 0 : i32
        %dma_wait3A_215 = tpu.memref_slice %arg6[%dma_wait3A_214] : memref<160512xi32, #tpu.memory_space<hbm>> -> memref<88xi32, #tpu.memory_space<hbm>>
        tpu.wait_dma2 semaphore(%arg15 : memref<!tpu.dma_semaphore, #tpu.memory_space<semaphore_mem>>) src(%dma_wait3A_215 : memref<88xi32, #tpu.memory_space<hbm>>) dst(%arg10 : memref<88xi32, #tpu.memory_space<vmem>>)
        %dma_start3A_216 = arith.constant 0 : i32
        %dma_start3A_217 = arith.constant 0 : i32
        %dma_start3A_218 = tpu.memref_slice %arg2[%arg0, %dma_start3A_216, %dma_start3A_217] : memref<2x10000x128xbf16, #tpu.memory_space<hbm>> -> memref<1x10000x128xbf16, #tpu.memory_space<hbm>>
        %dma_start3A_219 = tpu.memref_squeeze %dma_start3A_218 : memref<1x10000x128xbf16, #tpu.memory_space<hbm>> -> memref<10000x128xbf16, #tpu.memory_space<hbm>>
        %dma_start3A_220 = arith.constant 0 : i32
        %dma_start3A_221 = arith.constant 0 : i32
        %dma_start3A_222 = tpu.memref_slice %dma_start3A_219[%dma_start3A_220, %dma_start3A_221] : memref<10000x128xbf16, #tpu.memory_space<hbm>> -> memref<10000x128xbf16, #tpu.memory_space<hbm>>
        tpu.enqueue_indirect_dma source(%dma_start3A_222 : memref<10000x128xbf16, #tpu.memory_space<hbm>>) target(%arg11 : memref<88x128xbf16, #tpu.memory_space<vmem>>) offsets(%arg9 : memref<88xi32, #tpu.memory_space<vmem>>) semaphore(%arg16 : memref<!tpu.dma_semaphore, #tpu.memory_space<semaphore_mem>>)
        %dma_start3A_223 = arith.constant 0 : i32
        %dma_start3A_224 = arith.constant 0 : i32
        %dma_start3A_225 = tpu.memref_slice %arg3[%arg0, %dma_start3A_223, %dma_start3A_224] : memref<2x10000x16xf32, #tpu.memory_space<hbm>> -> memref<1x10000x16xf32, #tpu.memory_space<hbm>>
        %dma_start3A_226 = tpu.memref_squeeze %dma_start3A_225 : memref<1x10000x16xf32, #tpu.memory_space<hbm>> -> memref<10000x16xf32, #tpu.memory_space<hbm>>
        %dma_start3A_227 = arith.constant 0 : i32
        %dma_start3A_228 = arith.constant 0 : i32
        %dma_start3A_229 = tpu.memref_slice %dma_start3A_226[%dma_start3A_227, %dma_start3A_228] : memref<10000x16xf32, #tpu.memory_space<hbm>> -> memref<10000x16xf32, #tpu.memory_space<hbm>>
        tpu.enqueue_indirect_dma source(%dma_start3A_229 : memref<10000x16xf32, #tpu.memory_space<hbm>>) target(%arg13 : memref<88x16xf32, #tpu.memory_space<vmem>>) offsets(%arg9 : memref<88xi32, #tpu.memory_space<vmem>>) semaphore(%arg16 : memref<!tpu.dma_semaphore, #tpu.memory_space<semaphore_mem>>)
        %dma_start3A_230 = arith.constant 0 : i32
        %dma_start3A_231 = arith.constant 0 : i32
        %dma_start3A_232 = tpu.memref_slice %arg4[%arg0, %dma_start3A_230, %dma_start3A_231] : memref<2x10008x16xf32, #tpu.memory_space<hbm>> -> memref<1x10008x16xf32, #tpu.memory_space<hbm>>
        %dma_start3A_233 = tpu.memref_squeeze %dma_start3A_232 : memref<1x10008x16xf32, #tpu.memory_space<hbm>> -> memref<10008x16xf32, #tpu.memory_space<hbm>>
        %dma_start3A_234 = arith.constant 0 : i32
        %dma_start3A_235 = arith.constant 0 : i32
        %dma_start3A_236 = tpu.memref_slice %dma_start3A_233[%dma_start3A_234, %dma_start3A_235] : memref<10008x16xf32, #tpu.memory_space<hbm>> -> memref<10008x16xf32, #tpu.memory_space<hbm>>
        tpu.enqueue_indirect_dma source(%dma_start3A_236 : memref<10008x16xf32, #tpu.memory_space<hbm>>) target(%arg14 : memref<88x16xf32, #tpu.memory_space<vmem>>) offsets(%arg10 : memref<88xi32, #tpu.memory_space<vmem>>) semaphore(%arg16 : memref<!tpu.dma_semaphore, #tpu.memory_space<semaphore_mem>>)
      } else {
      }
    }
    %scan3A_77 = arith.constant 57 : i32
    %dma_wait3A_78 = arith.constant 0 : i32
    %dma_wait3A_79 = arith.constant 0 : i32
    %dma_wait3A_80 = tpu.memref_slice %arg27[%dma_wait3A_78, %dma_wait3A_79] : memref<10008x128xf32, #tpu.memory_space<vmem_shared>> -> memref<10008x128xf32, #tpu.memory_space<vmem_shared>>
    tpu.wait_indirect_dma semaphore(%arg26 : memref<!tpu.dma_semaphore, #tpu.memory_space<semaphore_mem>>) src(%arg21 : memref<88x128xf32, #tpu.memory_space<vmem>>) dst(%dma_wait3A_80 : memref<10008x128xf32, #tpu.memory_space<vmem_shared>>)
    %dma_wait3A_81 = arith.constant 0 : i32
    %dma_wait3A_82 = arith.constant 0 : i32
    %dma_wait3A_83 = tpu.memref_slice %arg28[%dma_wait3A_81, %dma_wait3A_82] : memref<10008x16xf32, #tpu.memory_space<vmem_shared>> -> memref<10008x16xf32, #tpu.memory_space<vmem_shared>>
    tpu.wait_indirect_dma semaphore(%arg26 : memref<!tpu.dma_semaphore, #tpu.memory_space<semaphore_mem>>) src(%arg22 : memref<88x16xf32, #tpu.memory_space<vmem>>) dst(%dma_wait3A_83 : memref<10008x16xf32, #tpu.memory_space<vmem_shared>>)
    %barrier3A_84 = arith.constant 0 : index
    tpu.barrier barrier_id(%barrier3A_84)
    "tpu.region"() ({
      %run_scoped3A = tpu.sem_alloc : memref<!tpu.dma_semaphore, #tpu.memory_space<semaphore_mem>>
      %dma_start3A_85 = arith.constant 0 : i32
      %dma_start3A_86 = tpu.memref_slice %arg7[%arg0, %mul3A_6, %dma_start3A_85] : memref<2x10000x128xf32, #tpu.memory_space<hbm>> -> memref<1x625x128xf32, #tpu.memory_space<hbm>>
      %dma_start3A_87 = tpu.memref_squeeze %dma_start3A_86 : memref<1x625x128xf32, #tpu.memory_space<hbm>> -> memref<625x128xf32, #tpu.memory_space<hbm>>
      %dma_start3A_88 = arith.constant 0 : i32
      %dma_start3A_89 = tpu.memref_slice %arg27[%mul3A_6, %dma_start3A_88] : memref<10008x128xf32, #tpu.memory_space<vmem_shared>> -> memref<625x128xf32, #tpu.memory_space<vmem_shared>>
      tpu.enqueue_dma source(%dma_start3A_89 : memref<625x128xf32, #tpu.memory_space<vmem_shared>>) target(%dma_start3A_87 : memref<625x128xf32, #tpu.memory_space<hbm>>) target_semaphore(%run_scoped3A : memref<!tpu.dma_semaphore, #tpu.memory_space<semaphore_mem>>)
      %dma_wait3A_90 = arith.constant 0 : i32
      %dma_wait3A_91 = tpu.memref_slice %arg7[%arg0, %mul3A_6, %dma_wait3A_90] : memref<2x10000x128xf32, #tpu.memory_space<hbm>> -> memref<1x625x128xf32, #tpu.memory_space<hbm>>
      %dma_wait3A_92 = tpu.memref_squeeze %dma_wait3A_91 : memref<1x625x128xf32, #tpu.memory_space<hbm>> -> memref<625x128xf32, #tpu.memory_space<hbm>>
      %dma_wait3A_93 = arith.constant 0 : i32
      %dma_wait3A_94 = tpu.memref_slice %arg27[%mul3A_6, %dma_wait3A_93] : memref<10008x128xf32, #tpu.memory_space<vmem_shared>> -> memref<625x128xf32, #tpu.memory_space<vmem_shared>>
      tpu.wait_dma2 semaphore(%run_scoped3A : memref<!tpu.dma_semaphore, #tpu.memory_space<semaphore_mem>>) src(%dma_wait3A_94 : memref<625x128xf32, #tpu.memory_space<vmem_shared>>) dst(%dma_wait3A_92 : memref<625x128xf32, #tpu.memory_space<hbm>>)
      tpu.yield
    }) : () -> ()
    "tpu.region"() ({
      %run_scoped3A = tpu.sem_alloc : memref<!tpu.dma_semaphore, #tpu.memory_space<semaphore_mem>>
      %dma_start3A_85 = arith.constant 0 : i32
      %dma_start3A_86 = tpu.memref_slice %arg8[%arg0, %mul3A_6, %dma_start3A_85] : memref<2x10000x16xf32, #tpu.memory_space<hbm>> -> memref<1x625x16xf32, #tpu.memory_space<hbm>>
      %dma_start3A_87 = tpu.memref_squeeze %dma_start3A_86 : memref<1x625x16xf32, #tpu.memory_space<hbm>> -> memref<625x16xf32, #tpu.memory_space<hbm>>
      %dma_start3A_88 = arith.constant 0 : i32
      %dma_start3A_89 = tpu.memref_slice %arg28[%mul3A_6, %dma_start3A_88] : memref<10008x16xf32, #tpu.memory_space<vmem_shared>> -> memref<625x16xf32, #tpu.memory_space<vmem_shared>>
      tpu.enqueue_dma source(%dma_start3A_89 : memref<625x16xf32, #tpu.memory_space<vmem_shared>>) target(%dma_start3A_87 : memref<625x16xf32, #tpu.memory_space<hbm>>) target_semaphore(%run_scoped3A : memref<!tpu.dma_semaphore, #tpu.memory_space<semaphore_mem>>)
      %dma_wait3A_90 = arith.constant 0 : i32
      %dma_wait3A_91 = tpu.memref_slice %arg8[%arg0, %mul3A_6, %dma_wait3A_90] : memref<2x10000x16xf32, #tpu.memory_space<hbm>> -> memref<1x625x16xf32, #tpu.memory_space<hbm>>
      %dma_wait3A_92 = tpu.memref_squeeze %dma_wait3A_91 : memref<1x625x16xf32, #tpu.memory_space<hbm>> -> memref<625x16xf32, #tpu.memory_space<hbm>>
      %dma_wait3A_93 = arith.constant 0 : i32
      %dma_wait3A_94 = tpu.memref_slice %arg28[%mul3A_6, %dma_wait3A_93] : memref<10008x16xf32, #tpu.memory_space<vmem_shared>> -> memref<625x16xf32, #tpu.memory_space<vmem_shared>>
      tpu.wait_dma2 semaphore(%run_scoped3A : memref<!tpu.dma_semaphore, #tpu.memory_space<semaphore_mem>>) src(%dma_wait3A_94 : memref<625x16xf32, #tpu.memory_space<vmem_shared>>) dst(%dma_wait3A_92 : memref<625x16xf32, #tpu.memory_space<hbm>>)
      tpu.yield
    }) : () -> ()
    return
  }
}

module attributes {stable_mosaic.version = 14 : i64} {
  func.func @_tc1_body(%arg0: i32, %arg1: memref<400x256xf32, #tpu.memory_space<vmem>>, %arg2: memref<2x256x160xf32, #tpu.memory_space<vmem>>, %arg3: memref<2x400x128xbf16, #tpu.memory_space<vmem>>, %arg4: memref<2x400x16xf32, #tpu.memory_space<vmem>>, %arg5: memref<2x400x16xf32, #tpu.memory_space<vmem>>) attributes {dimension_semantics = [#tpu.dimension_semantics<arbitrary>], iteration_bounds = array<i64: 25>, scalar_prefetch = 0 : i64, scratch_operands = 0 : i64, tpu.core_type = #tpu.core_type<tc>, window_params = [{transform_indices = @transform_0, window_bounds = array<i64: 400, 256>}, {pipeline_mode = #tpu.pipeline_mode<synchronous>, transform_indices = @transform_1, window_bounds = array<i64: 2, 256, 160>}, {transform_indices = @transform_2, window_bounds = array<i64: 2, 400, 128>}, {transform_indices = @transform_3, window_bounds = array<i64: 2, 400, 16>}, {transform_indices = @transform_4, window_bounds = array<i64: 2, 400, 16>}]} {
    %get3A = arith.constant 0 : index
    %get3A_0 = arith.constant 0 : index
    %get3A_1 = vector.load %arg1[%get3A, %get3A_0] : memref<400x256xf32, #tpu.memory_space<vmem>>, vector<400x256xf32>
    %get3A_2 = arith.constant 0 : index
    %get3A_3 = arith.constant 0 : index
    %get3A_4 = arith.constant 0 : index
    %get3A_5 = vector.load %arg2[%get3A_2, %get3A_3, %get3A_4] : memref<2x256x160xf32, #tpu.memory_space<vmem>>, vector<1x256x160xf32>
    %get3A_6 = vector.shape_cast %get3A_5 : vector<1x256x160xf32> to vector<256x160xf32>
    %dot_general3A = arith.constant dense<0.000000e+00> : vector<400x160xf32>
    %dot_general3A_7 = tpu.matmul %get3A_1, %get3A_6, %dot_general3A {dimension_numbers = #tpu.dot_dimension_numbers<[1], [0], [0], [1], [0, 0, 1, 1], [], []>, transpose_lhs_hint = false} : vector<400x256xf32>, vector<256x160xf32>, vector<400x160xf32> -> vector<400x160xf32>
    %slice3A = vector.extract_strided_slice %dot_general3A_7 {offsets = [0, 0], sizes = [400, 128], strides = [1, 1]} : vector<400x160xf32> to vector<400x128xf32>
    %convert_element_type3A = arith.truncf %slice3A : vector<400x128xf32> to vector<400x128xbf16>
    %swap3A = arith.constant 0 : index
    %swap3A_8 = arith.constant 0 : index
    %swap3A_9 = arith.constant 0 : index
    %swap3A_10 = vector.load %arg3[%swap3A, %swap3A_8, %swap3A_9] : memref<2x400x128xbf16, #tpu.memory_space<vmem>>, vector<1x400x128xbf16>
    %swap3A_11 = vector.shape_cast %swap3A_10 : vector<1x400x128xbf16> to vector<400x128xbf16>
    %swap3A_12 = vector.shape_cast %convert_element_type3A : vector<400x128xbf16> to vector<1x400x128xbf16>
    tpu.vector_store %arg3[%swap3A, %swap3A_8, %swap3A_9], %swap3A_12 {strides = array<i32>} : memref<2x400x128xbf16, #tpu.memory_space<vmem>>, vector<1x400x128xbf16>,
    %slice3A_13 = vector.extract_strided_slice %dot_general3A_7 {offsets = [0, 128], sizes = [400, 16], strides = [1, 1]} : vector<400x160xf32> to vector<400x16xf32>
    %swap3A_14 = arith.constant 0 : index
    %swap3A_15 = arith.constant 0 : index
    %swap3A_16 = arith.constant 0 : index
    %swap3A_17 = vector.load %arg4[%swap3A_14, %swap3A_15, %swap3A_16] : memref<2x400x16xf32, #tpu.memory_space<vmem>>, vector<1x400x16xf32>
    %swap3A_18 = vector.shape_cast %swap3A_17 : vector<1x400x16xf32> to vector<400x16xf32>
    %swap3A_19 = vector.shape_cast %slice3A_13 : vector<400x16xf32> to vector<1x400x16xf32>
    tpu.vector_store %arg4[%swap3A_14, %swap3A_15, %swap3A_16], %swap3A_19 {strides = array<i32>} : memref<2x400x16xf32, #tpu.memory_space<vmem>>, vector<1x400x16xf32>,
    %slice3A_20 = vector.extract_strided_slice %dot_general3A_7 {offsets = [0, 144], sizes = [400, 16], strides = [1, 1]} : vector<400x160xf32> to vector<400x16xf32>
    %swap3A_21 = arith.constant 0 : index
    %swap3A_22 = arith.constant 0 : index
    %swap3A_23 = arith.constant 0 : index
    %swap3A_24 = vector.load %arg5[%swap3A_21, %swap3A_22, %swap3A_23] : memref<2x400x16xf32, #tpu.memory_space<vmem>>, vector<1x400x16xf32>
    %swap3A_25 = vector.shape_cast %swap3A_24 : vector<1x400x16xf32> to vector<400x16xf32>
    %swap3A_26 = vector.shape_cast %slice3A_20 : vector<400x16xf32> to vector<1x400x16xf32>
    tpu.vector_store %arg5[%swap3A_21, %swap3A_22, %swap3A_23], %swap3A_26 {strides = array<i32>} : memref<2x400x16xf32, #tpu.memory_space<vmem>>, vector<1x400x16xf32>,
    %get3A_27 = arith.constant 1 : index
    %get3A_28 = arith.constant 0 : index
    %get3A_29 = arith.constant 0 : index
    %get3A_30 = vector.load %arg2[%get3A_27, %get3A_28, %get3A_29] : memref<2x256x160xf32, #tpu.memory_space<vmem>>, vector<1x256x160xf32>
    %get3A_31 = vector.shape_cast %get3A_30 : vector<1x256x160xf32> to vector<256x160xf32>
    %dot_general3A_32 = arith.constant dense<0.000000e+00> : vector<400x160xf32>
    %dot_general3A_33 = tpu.matmul %get3A_1, %get3A_31, %dot_general3A_32 {dimension_numbers = #tpu.dot_dimension_numbers<[1], [0], [0], [1], [0, 0, 1, 1], [], []>, transpose_lhs_hint = false} : vector<400x256xf32>, vector<256x160xf32>, vector<400x160xf32> -> vector<400x160xf32>
    %slice3A_34 = vector.extract_strided_slice %dot_general3A_33 {offsets = [0, 0], sizes = [400, 128], strides = [1, 1]} : vector<400x160xf32> to vector<400x128xf32>
    %convert_element_type3A_35 = arith.truncf %slice3A_34 : vector<400x128xf32> to vector<400x128xbf16>
    %swap3A_36 = arith.constant 1 : index
    %swap3A_37 = arith.constant 0 : index
    %swap3A_38 = arith.constant 0 : index
    %swap3A_39 = vector.load %arg3[%swap3A_36, %swap3A_37, %swap3A_38] : memref<2x400x128xbf16, #tpu.memory_space<vmem>>, vector<1x400x128xbf16>
    %swap3A_40 = vector.shape_cast %swap3A_39 : vector<1x400x128xbf16> to vector<400x128xbf16>
    %swap3A_41 = vector.shape_cast %convert_element_type3A_35 : vector<400x128xbf16> to vector<1x400x128xbf16>
    tpu.vector_store %arg3[%swap3A_36, %swap3A_37, %swap3A_38], %swap3A_41 {strides = array<i32>} : memref<2x400x128xbf16, #tpu.memory_space<vmem>>, vector<1x400x128xbf16>,
    %slice3A_42 = vector.extract_strided_slice %dot_general3A_33 {offsets = [0, 128], sizes = [400, 16], strides = [1, 1]} : vector<400x160xf32> to vector<400x16xf32>
    %swap3A_43 = arith.constant 1 : index
    %swap3A_44 = arith.constant 0 : index
    %swap3A_45 = arith.constant 0 : index
    %swap3A_46 = vector.load %arg4[%swap3A_43, %swap3A_44, %swap3A_45] : memref<2x400x16xf32, #tpu.memory_space<vmem>>, vector<1x400x16xf32>
    %swap3A_47 = vector.shape_cast %swap3A_46 : vector<1x400x16xf32> to vector<400x16xf32>
    %swap3A_48 = vector.shape_cast %slice3A_42 : vector<400x16xf32> to vector<1x400x16xf32>
    tpu.vector_store %arg4[%swap3A_43, %swap3A_44, %swap3A_45], %swap3A_48 {strides = array<i32>} : memref<2x400x16xf32, #tpu.memory_space<vmem>>, vector<1x400x16xf32>,
    %slice3A_49 = vector.extract_strided_slice %dot_general3A_33 {offsets = [0, 144], sizes = [400, 16], strides = [1, 1]} : vector<400x160xf32> to vector<400x16xf32>
    %swap3A_50 = arith.constant 1 : index
    %swap3A_51 = arith.constant 0 : index
    %swap3A_52 = arith.constant 0 : index
    %swap3A_53 = vector.load %arg5[%swap3A_50, %swap3A_51, %swap3A_52] : memref<2x400x16xf32, #tpu.memory_space<vmem>>, vector<1x400x16xf32>
    %swap3A_54 = vector.shape_cast %swap3A_53 : vector<1x400x16xf32> to vector<400x16xf32>
    %swap3A_55 = vector.shape_cast %slice3A_49 : vector<400x16xf32> to vector<1x400x16xf32>
    tpu.vector_store %arg5[%swap3A_50, %swap3A_51, %swap3A_52], %swap3A_55 {strides = array<i32>} : memref<2x400x16xf32, #tpu.memory_space<vmem>>, vector<1x400x16xf32>,
    return
  }
  func.func @transform_0(%arg0: i32) -> (i32, i32) {
    %c0_i32 = arith.constant 0 : i32
    %c0_i32_0 = arith.constant 0 : i32
    return %arg0, %c0_i32 : i32, i32
  }
  func.func @transform_1(%arg0: i32) -> (i32, i32, i32) {
    %c0_i32 = arith.constant 0 : i32
    %c0_i32_0 = arith.constant 0 : i32
    %c0_i32_1 = arith.constant 0 : i32
    %c0_i32_2 = arith.constant 0 : i32
    return %c0_i32, %c0_i32_0, %c0_i32_1 : i32, i32, i32
  }
  func.func @transform_2(%arg0: i32) -> (i32, i32, i32) {
    %c0_i32 = arith.constant 0 : i32
    %c0_i32_0 = arith.constant 0 : i32
    %c0_i32_1 = arith.constant 0 : i32
    return %c0_i32, %arg0, %c0_i32_0 : i32, i32, i32
  }
  func.func @transform_3(%arg0: i32) -> (i32, i32, i32) {
    %c0_i32 = arith.constant 0 : i32
    %c0_i32_0 = arith.constant 0 : i32
    %c0_i32_1 = arith.constant 0 : i32
    return %c0_i32, %arg0, %c0_i32_0 : i32, i32, i32
  }
  func.func @transform_4(%arg0: i32) -> (i32, i32, i32) {
    %c0_i32 = arith.constant 0 : i32
    %c0_i32_0 = arith.constant 0 : i32
    %c0_i32_1 = arith.constant 0 : i32
    return %c0_i32, %arg0, %c0_i32_0 : i32, i32, i32
  }
}

module attributes {stable_mosaic.version = 14 : i64} {
  func.func @_tc2_body(%arg0: i32, %arg1: memref<2x400x128xf32, #tpu.memory_space<vmem>>, %arg2: memref<2x400x16xf32, #tpu.memory_space<vmem>>, %arg3: memref<400x256xf32, #tpu.memory_space<vmem>>, %arg4: memref<1x256xf32, #tpu.memory_space<vmem>>, %arg5: memref<256x256xf32, #tpu.memory_space<vmem>>, %arg6: memref<400x256xf32, #tpu.memory_space<vmem>>) attributes {dimension_semantics = [#tpu.dimension_semantics<arbitrary>], iteration_bounds = array<i64: 25>, scalar_prefetch = 0 : i64, scratch_operands = 0 : i64, tpu.core_type = #tpu.core_type<tc>, window_params = [{transform_indices = @transform_0, window_bounds = array<i64: 2, 400, 128>}, {transform_indices = @transform_1, window_bounds = array<i64: 2, 400, 16>}, {transform_indices = @transform_2, window_bounds = array<i64: 400, 256>}, {pipeline_mode = #tpu.pipeline_mode<synchronous>, transform_indices = @transform_3, window_bounds = array<i64: 1, 256>}, {pipeline_mode = #tpu.pipeline_mode<synchronous>, transform_indices = @transform_4, window_bounds = array<i64: 256, 256>}, {transform_indices = @transform_5, window_bounds = array<i64: 400, 256>}]} {
    %get3A = arith.constant 0 : index
    %get3A_0 = arith.constant 0 : index
    %get3A_1 = arith.constant 0 : index
    %get3A_2 = vector.load %arg2[%get3A, %get3A_0, %get3A_1] : memref<2x400x16xf32, #tpu.memory_space<vmem>>, vector<1x400x16xf32>
    %get3A_3 = vector.shape_cast %get3A_2 : vector<1x400x16xf32> to vector<400x16xf32>
    %slice3A = vector.extract_strided_slice %get3A_3 {offsets = [0, 0], sizes = [400, 1], strides = [1, 1]} : vector<400x16xf32> to vector<400x1xf32>
    %broadcast_in_dim3A = vector.shape_cast %slice3A : vector<400x1xf32> to vector<400x1xf32>
    %broadcast_in_dim3A_4 = vector.broadcast %broadcast_in_dim3A : vector<400x1xf32> to vector<400x8xf32>
    %slice3A_5 = vector.extract_strided_slice %get3A_3 {offsets = [0, 8], sizes = [400, 1], strides = [1, 1]} : vector<400x16xf32> to vector<400x1xf32>
    %broadcast_in_dim3A_6 = vector.shape_cast %slice3A_5 : vector<400x1xf32> to vector<400x1xf32>
    %broadcast_in_dim3A_7 = vector.broadcast %broadcast_in_dim3A_6 : vector<400x1xf32> to vector<400x8xf32>
    %concatenate3A = tpu.concatenate %broadcast_in_dim3A_4, %broadcast_in_dim3A_7 in 1 : vector<400x8xf32>, vector<400x8xf32> -> vector<400x16xf32>
    %concatenate3A_8 = tpu.concatenate %concatenate3A, %concatenate3A, %concatenate3A, %concatenate3A, %concatenate3A, %concatenate3A, %concatenate3A, %concatenate3A in 1 : vector<400x16xf32>, vector<400x16xf32>, vector<400x16xf32>, vector<400x16xf32>, vector<400x16xf32>, vector<400x16xf32>, vector<400x16xf32>, vector<400x16xf32> -> vector<400x128xf32>
    %get3A_9 = arith.constant 0 : index
    %get3A_10 = arith.constant 0 : index
    %get3A_11 = arith.constant 0 : index
    %get3A_12 = vector.load %arg1[%get3A_9, %get3A_10, %get3A_11] : memref<2x400x128xf32, #tpu.memory_space<vmem>>, vector<1x400x128xf32>
    %get3A_13 = vector.shape_cast %get3A_12 : vector<1x400x128xf32> to vector<400x128xf32>
    %max3A = arith.constant 9.99999971E-10 : f32
    %max3A_14 = vector.broadcast %max3A : f32 to vector<400x128xf32>
    %max3A_15 = arith.maximumf %concatenate3A_8, %max3A_14 : vector<400x128xf32>
    %div3A = arith.divf %get3A_13, %max3A_15 : vector<400x128xf32>
    %get3A_16 = arith.constant 1 : index
    %get3A_17 = arith.constant 0 : index
    %get3A_18 = arith.constant 0 : index
    %get3A_19 = vector.load %arg2[%get3A_16, %get3A_17, %get3A_18] : memref<2x400x16xf32, #tpu.memory_space<vmem>>, vector<1x400x16xf32>
    %get3A_20 = vector.shape_cast %get3A_19 : vector<1x400x16xf32> to vector<400x16xf32>
    %slice3A_21 = vector.extract_strided_slice %get3A_20 {offsets = [0, 0], sizes = [400, 1], strides = [1, 1]} : vector<400x16xf32> to vector<400x1xf32>
    %broadcast_in_dim3A_22 = vector.shape_cast %slice3A_21 : vector<400x1xf32> to vector<400x1xf32>
    %broadcast_in_dim3A_23 = vector.broadcast %broadcast_in_dim3A_22 : vector<400x1xf32> to vector<400x8xf32>
    %slice3A_24 = vector.extract_strided_slice %get3A_20 {offsets = [0, 8], sizes = [400, 1], strides = [1, 1]} : vector<400x16xf32> to vector<400x1xf32>
    %broadcast_in_dim3A_25 = vector.shape_cast %slice3A_24 : vector<400x1xf32> to vector<400x1xf32>
    %broadcast_in_dim3A_26 = vector.broadcast %broadcast_in_dim3A_25 : vector<400x1xf32> to vector<400x8xf32>
    %concatenate3A_27 = tpu.concatenate %broadcast_in_dim3A_23, %broadcast_in_dim3A_26 in 1 : vector<400x8xf32>, vector<400x8xf32> -> vector<400x16xf32>
    %concatenate3A_28 = tpu.concatenate %concatenate3A_27, %concatenate3A_27, %concatenate3A_27, %concatenate3A_27, %concatenate3A_27, %concatenate3A_27, %concatenate3A_27, %concatenate3A_27 in 1 : vector<400x16xf32>, vector<400x16xf32>, vector<400x16xf32>, vector<400x16xf32>, vector<400x16xf32>, vector<400x16xf32>, vector<400x16xf32>, vector<400x16xf32> -> vector<400x128xf32>
    %get3A_29 = arith.constant 1 : index
    %get3A_30 = arith.constant 0 : index
    %get3A_31 = arith.constant 0 : index
    %get3A_32 = vector.load %arg1[%get3A_29, %get3A_30, %get3A_31] : memref<2x400x128xf32, #tpu.memory_space<vmem>>, vector<1x400x128xf32>
    %get3A_33 = vector.shape_cast %get3A_32 : vector<1x400x128xf32> to vector<400x128xf32>
    %max3A_34 = arith.constant 9.99999971E-10 : f32
    %max3A_35 = vector.broadcast %max3A_34 : f32 to vector<400x128xf32>
    %max3A_36 = arith.maximumf %concatenate3A_28, %max3A_35 : vector<400x128xf32>
    %div3A_37 = arith.divf %get3A_33, %max3A_36 : vector<400x128xf32>
    %concatenate3A_38 = tpu.concatenate %div3A, %div3A_37 in 1 : vector<400x128xf32>, vector<400x128xf32> -> vector<400x256xf32>
    %get3A_39 = arith.constant 0 : index
    %get3A_40 = arith.constant 0 : index
    %get3A_41 = vector.load %arg5[%get3A_39, %get3A_40] : memref<256x256xf32, #tpu.memory_space<vmem>>, vector<256x256xf32>
    %dot_general3A = arith.constant dense<0.000000e+00> : vector<400x256xf32>
    %dot_general3A_42 = tpu.matmul %concatenate3A_38, %get3A_41, %dot_general3A {dimension_numbers = #tpu.dot_dimension_numbers<[1], [0], [0], [1], [0, 0, 1, 1], [], []>, transpose_lhs_hint = false} : vector<400x256xf32>, vector<256x256xf32>, vector<400x256xf32> -> vector<400x256xf32>
    %get3A_43 = arith.constant 0 : index
    %get3A_44 = arith.constant 0 : index
    %get3A_45 = vector.load %arg3[%get3A_43, %get3A_44] : memref<400x256xf32, #tpu.memory_space<vmem>>, vector<400x256xf32>
    %add3A = arith.addf %dot_general3A_42, %get3A_45 : vector<400x256xf32>
    %get3A_46 = arith.constant 0 : index
    %get3A_47 = arith.constant 0 : index
    %get3A_48 = vector.load %arg4[%get3A_46, %get3A_47] : memref<1x256xf32, #tpu.memory_space<vmem>>, vector<1x256xf32>
    %add3A_49 = vector.broadcast %get3A_48 : vector<1x256xf32> to vector<400x256xf32>
    %add3A_50 = arith.addf %add3A, %add3A_49 : vector<400x256xf32>
    %swap3A = arith.constant 0 : index
    %swap3A_51 = arith.constant 0 : index
    %swap3A_52 = vector.load %arg6[%swap3A, %swap3A_51] : memref<400x256xf32, #tpu.memory_space<vmem>>, vector<400x256xf32>
    tpu.vector_store %arg6[%swap3A, %swap3A_51], %add3A_50 {strides = array<i32>} : memref<400x256xf32, #tpu.memory_space<vmem>>, vector<400x256xf32>,
    return
  }
  func.func @transform_0(%arg0: i32) -> (i32, i32, i32) {
    %c0_i32 = arith.constant 0 : i32
    %c0_i32_0 = arith.constant 0 : i32
    %c0_i32_1 = arith.constant 0 : i32
    return %c0_i32, %arg0, %c0_i32_0 : i32, i32, i32
  }
  func.func @transform_1(%arg0: i32) -> (i32, i32, i32) {
    %c0_i32 = arith.constant 0 : i32
    %c0_i32_0 = arith.constant 0 : i32
    %c0_i32_1 = arith.constant 0 : i32
    return %c0_i32, %arg0, %c0_i32_0 : i32, i32, i32
  }
  func.func @transform_2(%arg0: i32) -> (i32, i32) {
    %c0_i32 = arith.constant 0 : i32
    %c0_i32_0 = arith.constant 0 : i32
    return %arg0, %c0_i32 : i32, i32
  }
  func.func @transform_3(%arg0: i32) -> (i32, i32) {
    %c0_i32 = arith.constant 0 : i32
    %c0_i32_0 = arith.constant 0 : i32
    %c0_i32_1 = arith.constant 0 : i32
    return %c0_i32, %c0_i32_0 : i32, i32
  }
  func.func @transform_4(%arg0: i32) -> (i32, i32) {
    %c0_i32 = arith.constant 0 : i32
    %c0_i32_0 = arith.constant 0 : i32
    %c0_i32_1 = arith.constant 0 : i32
    return %c0_i32, %c0_i32_0 : i32, i32
  }
  func.func @transform_5(%arg0: i32) -> (i32, i32) {
    %c0_i32 = arith.constant 0 : i32
    %c0_i32_0 = arith.constant 0 : i32
    return %arg0, %c0_i32 : i32, i32
  }
}

</mosaic_0001>

<sc_bundles>
// kernel: kernel.5.cloned.1.call-start
scs
__scs_entry_jumppad:
0x0: {  	(pc) =	sbr.rel $0x88, $3  }
0x1: {  	(tag) =	ssettag $0x0;
	lr =	simm.s32 $0x1  }
0x2: {  	[smem:$0x3F9B] =	sst lr;
	_ =	strace $0xD0000000  }
0x3: {  	_ = 	snop  }
0x4: {  	_ = 	snop  }
0x5: {  	_ = 	snop  }
0x6: {  	_ = 	snop  }
0x7: {  	_ = 	snop  }
__scs_overlays_trampoline_lowered:
0x8: {  	[smem:$0x3FAA] =	sst s0  }
0x9: {  	[smem:$0x3FAB] =	sst s1  }
0xa: {  	[smem:$0x3FAC] =	sst s2  }
0xb: {  	[smem:$0x3FAD] =	sst s3  }
0xc: {  	[smem:$0x3FAE] =	sst s4  }
0xd: {  	[smem:$0x3FAF] =	sst s5  }
0xe: {  	[smem:$0x3FB0] =	sst s6  }
0xf: {  	[smem:$0x3FB1] =	sst s7  }
0x10: {  	[smem:$0x3FB2] =	sst s8  }
0x11: {  	[smem:$0x3FB3] =	sst s9;
	s0 =	simm.s32 @!p0 $0x0  }
0x12: {  	s1 =	sld [smem:$0x3F99];
	s0 =	simm.s32 @p0 $0x1  }
0x13: {  	[smem:$0x3FB4] =	sst s0;
	s0 =	simm.s32 @!p1 $0x0  }
0x14: {  	s2 =	sld [smem:$0x3F98];
	s0 =	simm.s32 @p1 $0x1  }
0x15: {  	[smem:$0x3FB5] =	sst s0;
	s0 =	simm.s32 @!p2 $0x0  }
0x16: {  	s3 =	sld [smem:$0x3FDB];
	s0 =	simm.s32 @p2 $0x1  }
0x17: {  	s4 =	simm.s32 $0x1BF5;
	[smem:$0x3FB7] =	sst s0  }
0x18: {  	s0 =	sld [smem:$0x3F9A];
	_ =	swait.ge [sflag:s4], $0x0  }
0x19: {  	s7 =	sld [smem:$0x3F9B]  }
0x1a: {  	s8 =	sadd.s32 $0xFFFFE003, lr  }
0x1b: {  	s9 =	sadd.s32 $0xFFFFFEF7, lr;
	s5 =	simm.s32 $0xFFFFFFFF;
	p2 =	slt.u32 s8, $0xFFFFF086  }
0x1c: {  	p1 =	slt.u32 s9, $0xF7A;
	s5 =	simm.s32 @!p2 $0x0  }
0x1d: {  	s5 =	simm.s32 @p1 $0x1;
	p0 =	seq.s32 s7, s2  }
0x1e: {  	s7 =	smul.u32 @!p0 $0xF7A, s2;
	p2 =	seq.s32 @!p0 s5, $0x0  }
0x1f: {  	s9 =	smul.u32 $0xF7A, s1;
	s8 =	simm.s32 @!p0 $0x1BF5;
	p2 =	por !p2, p0  }
0x20: {  	[sflag:s8] =	ssyncset.s32 @!p0 $0xFFFFF086;
	s6 =	sadd.s32 @!p0 s3, s7;
	s7 =	simm.s32 @!p0 $0x108  }
0x21: {  	s3 =	sadd.s32 s3, s9;
	s6 =	sadd.s32 @!p0 $0x88, s6;
	s7 =	simm.s32 @p2 $0x1082  }
0x22: {  	[simem:s7], [sflag:s8] =	dma.local @!p0 [hbm:s6], $0xF7A  }
0x23: {  	s9 =	sor.u32 $0xD0000000, s2;
	s6 =	simm.s32 $0x108;
	_ =	swait.ge @!p0 [sflag:s8], $0x0  }
0x24: {  	s3 =	sadd.s32 $0x88, s3;
	s6 =	simm.s32 @!p1 $0x1082;
	[sflag:s4] =	ssyncset.s32 $0xFFFFF086  }
0x25: {  	[simem:s6], [sflag:s4] =	dma.local [hbm:s3], $0xF7A  }
0x26: {  	[smem:$0x3F9B] =	sst s1;
	(tag) =	ssettag s2;
	_ =	strace s9  }
0x27: {  	s1 =	sld [smem:$0x3FAB]  }
0x28: {  	s2 =	sld [smem:$0x3FAC]  }
0x29: {  	s4 =	sld [smem:$0x3FAE]  }
0x2a: {  	p0 =	seq.s32 s5, $0x0;
	s5 =	sld [smem:$0x3FAF]  }
0x2b: {  	s6 =	sld [smem:$0x3FB0]  }
0x2c: {  	s7 =	sld [smem:$0x3FB1]  }
0x2d: {  	s3 =	simm.s32 $0x108;
	s8 =	sld [smem:$0x3FB2]  }
0x2e: {  	s3 =	simm.s32 @!p0 $0x1082;
	s9 =	sld [smem:$0x3FB3]  }
0x2f: {  	lr =	sadd.s32 s0, s3;
	s0 =	sld [smem:$0x3FAA]  }
0x30: {  	s3 =	sld [smem:$0x3FAD]  }
0x31: {  	[smem:$0x3FB6] =	sst s10  }
0x32: {  	s10 =	sld [smem:$0x3FB4];
	_ =	sdelay $0x3  }
0x33: {  	p0 =	seq.s32 s10, $0x1;
	s10 =	sld [smem:$0x3FB6];
	_ =	sdelay $0x3  }
0x34: {  	[smem:$0x3FB6] =	sst s10  }
0x35: {  	s10 =	sld [smem:$0x3FB5];
	_ =	sdelay $0x3  }
0x36: {  	p1 =	seq.s32 s10, $0x1;
	s10 =	sld [smem:$0x3FB6];
	_ =	sdelay $0x3  }
0x37: {  	[smem:$0x3FB6] =	sst s10  }
0x38: {  	s10 =	sld [smem:$0x3FB7]  }
0x39: {  	_ = 	snop;
	(pc) =	sbr.ind lr, $3  }
0x3a: {  	_ = 	snop  }
0x3b: {  	_ = 	snop  }
0x3c: {  	p2 =	seq.s32 s10, $0x1;
	s10 =	sld [smem:$0x3FB6]  }
0x3d: {  	_ =	shalt  }
0x3e: {  	_ =	shalt  }
0x3f: {  	_ =	shalt  }
0x40: {  	_ =	shalt  }
0x41: {  	_ =	shalt  }
0x42: {  	_ =	shalt  }
0x43: {  	_ =	shalt  }
0x44: {  	_ =	shalt  }
0x45: {  	_ =	shalt  }
0x46: {  	_ =	shalt  }
0x47: {  	_ =	shalt  }
0x48: {  	_ =	shalt  }
0x49: {  	_ =	shalt  }
0x4a: {  	_ =	shalt  }
0x4b: {  	_ =	shalt  }
0x4c: {  	_ =	shalt  }
0x4d: {  	_ =	shalt  }
0x4e: {  	_ =	shalt  }
0x4f: {  	_ =	shalt  }
0x50: {  	_ =	shalt  }
0x51: {  	_ =	shalt  }
0x52: {  	_ =	shalt  }
0x53: {  	_ =	shalt  }
0x54: {  	_ =	shalt  }
0x55: {  	_ =	shalt  }
0x56: {  	_ =	shalt  }
0x57: {  	_ =	shalt  }
0x58: {  	_ =	shalt  }
0x59: {  	_ =	shalt  }
0x5a: {  	_ =	shalt  }
0x5b: {  	_ =	shalt  }
0x5c: {  	_ =	shalt  }
0x5d: {  	_ =	shalt  }
0x5e: {  	_ =	shalt  }
0x5f: {  	_ =	shalt  }
0x60: {  	_ =	shalt  }
0x61: {  	_ =	shalt  }
0x62: {  	_ =	shalt  }
0x63: {  	_ =	shalt  }
0x64: {  	_ =	shalt  }
0x65: {  	_ =	shalt  }
0x66: {  	_ =	shalt  }
0x67: {  	_ =	shalt  }
0x68: {  	_ =	shalt  }
0x69: {  	_ =	shalt  }
0x6a: {  	_ =	shalt  }
0x6b: {  	_ =	shalt  }
0x6c: {  	_ =	shalt  }
0x6d: {  	_ =	shalt  }
0x6e: {  	_ =	shalt  }
0x6f: {  	_ =	shalt  }
0x70: {  	_ =	shalt  }
0x71: {  	_ =	shalt  }
0x72: {  	_ =	shalt  }
0x73: {  	_ =	shalt  }
0x74: {  	_ =	shalt  }
0x75: {  	_ =	shalt  }
0x76: {  	_ =	shalt  }
0x77: {  	_ =	shalt  }
0x78: {  	_ =	shalt  }
0x79: {  	_ =	shalt  }
0x7a: {  	_ =	shalt  }
0x7b: {  	_ =	shalt  }
0x7c: {  	_ =	shalt  }
0x7d: {  	_ =	shalt  }
0x7e: {  	_ =	shalt  }
0x7f: {  	_ =	shalt  }
0x80: {  	_ =	shalt  }
0x81: {  	_ =	shalt  }
0x82: {  	_ =	shalt  }
0x83: {  	_ =	shalt  }
0x84: {  	_ =	shalt  }
0x85: {  	_ =	shalt  }
0x86: {  	_ =	shalt  }
0x87: {  	_ =	shalt  }
.Lfunc_end0:
.L_simem_size_0:
called_computation_lowered:
.L_overlay_start_0:
0x88: {  	s2 =	sld [smem:$0x3FD9]  }
0x89: {  	s3 =	sld [smem:$0x3FFE];
	_ =	sdelay $0x1  }
0x8a: {  	s1 =	srdreg.scid  }
0x8b: {  	s0 =	sand.u32 $0x1, s1  }
0x8c: {  	s17 =	sshll.u32 s0, $0xA;
	s2 =	sadd.s32 s3, s2  }
0x8d: {  	s2 =	sadd.s32 s2, s17  }
0x8e: {  	[smem:$0x3FC2] =	sst s2  }
0x8f: {  	_ = 	snop  }
0x90: {  	s2 =	sld [smem:$0x3FD0];
	(tm) =	ssettm $0x1  }
0x91: {  	s18 =	sld [smem:$0x3FFB];
	_ =	sdelay $0x3  }
0x92: {  	_ =	strace s18  }
0x93: {  	s3 =	sld [smem:$0x3FFC];
	_ =	sdelay $0x3  }
0x94: {  	_ =	strace s3  }
0x95: {  	s3 =	sld [smem:$0x3FFD];
	_ =	sdelay $0x3  }
0x96: {  	_ =	strace s3  }
0x97: {  	_ =	strace $0x8FFFFFFF  }
0x98: {  	s19 =	sld [smem:$0x3FDB];
	_ =	sdelay $0x1  }
0x99: {  	s4 =	simm.s32 $_scs_section_size  }
0x9a: {  	s5 =	simm.s32 $_size__tile_overlayer_lowered;
	s6 =	simm.s32 $_tile_overlayer_lowered  }
0x9b: {  	s22 =	simm.s32 $0x1BFF;
	s21 =	sshll.u32 s6, $0x1;
	s3 =	sadd.s32 s4, s19  }
0x9c: {  	s7 =	simm.s32 $0x0;
	s20 =	sshll.u32 s5, $0x1;
	s5 =	sadd.s32 s21, s3  }
0x9d: {  	[timem:s7], [sflag:s22] =	dma.local [hbm:s5], s20  }
0x9e: {  	_ =	swait.ge [sflag:s22], s20  }
0x9f: {  	s4 =	ssub.s32 $0x0, s20;
	[sflag:s22] =	ssyncset.done $0x0  }
0xa0: {  	[sflag:s22] =	ssyncadd.s32 s4;
	_ =	sdelay $0x1  }
0xa1: {  	s23 =	simm.s32 $0x1B8B  }
0xa2: {  	_ =	swait.ge [sflag:s23], $0x1  }
0xa3: {  	[sflag:s23] =	ssyncset.done $0x0  }
0xa4: {  	s25 =	simm.s32 $0x1B8E;
	s24 =	sld [smem:$0x3FFE];
	[sflag:s23] =	ssyncadd.s32 $0xFFFFFFFF  }
0xa5: {  	s26 =	simm.s32 $execute0_lowered;
	[smem:$0x3FD2] =	sst s25  }
0xa6: {  	s5 =	sshll.u32 s26, $0x1;
	_ =	strace $0x80000046;
	[dreg:$0x1] =	wrdreg $0xFFFFFFFF  }
0xa7: {  	s28 =	simm.s32 $_size_execute0_lowered;
	s3 =	sadd.s32 s3, s5;
	[dreg:$0x0] =	wrdreg $0x0  }
0xa8: {  	s5 =	sshll.u32 s28, $0x1;
	[dreg:$0x2] =	wrdreg s3  }
0xa9: {  	[dreg:$0x3] =	wrdreg s5  }
0xaa: {  	[dreg:$0x4] =	wrdreg $0xC0  }
0xab: {  	_ =	task [dreg:s7], $0x5FFFF  }
0xac: {  	[dreg:$0x1] =	wrdreg $0xFFFFFFFF  }
0xad: {  	[dreg:$0x0] =	wrdreg $0x60  }
0xae: {  	[dreg:$0x2] =	wrdreg s24  }
0xaf: {  	[dreg:$0x3] =	wrdreg s2  }
0xb0: {  	[dreg:$0x4] =	wrdreg $0x9B600  }
0xb1: {  	[dreg:$0x5] =	wrdreg $0x1D4200  }
0xb2: {  	[dreg:$0x6] =	wrdreg $0x9  }
0xb3: {  	_ =	task.clear_ibuf [dreg:s7], $0x7FFFF;
	_ =	strace $0x90000046  }
0xb4: {  	s29 =	simm.s32 $0x9;
	_ =	strace $0x80000048  }
0xb5: {  	_ =	swait.ge [sflag:s29], $0x1  }
0xb6: {  	[sflag:s29] =	ssyncadd.s32 $0xFFFFFFFF  }
0xb7: {  	_ =	strace $0x90000048  }
0xb8: {  	_ =	sfence  }
0xb9: {  	s30 =	sld [smem:$0x0];
	_ =	sdelay $0x2  }
0xba: {  	s31 =	sshll.u32 s1, $0xD;
	s1 =	sshrl.u32 s1, $0x2  }
0xbb: {  	s3 =	sand.u32 $0x4000, s31;
	s1 =	sadd.s32 s1, s30  }
0xbc: {  	s0 =	sor.u32 s3, s0;
	s1 =	sshll.u32 s1, $0x11  }
0xbd: {  	s0 =	sor.u32 s1, s0  }
0xbe: {  	s0 =	sadd.s32 $0x8F2B, s0  }
0xbf: {  	[sflag:s0] =	ssyncadd.remote.s32 $0x1  }
0xc0: {  	_ =	sfence.sel $0xFFFF  }
0xc1: {  	[dreg:$0x0] =	wrdreg $0xFFFFFFFF;
	(pc) =	sbr.abs _section_cstart, $3  }
0xc2: {  	[dreg:$0x1] =	wrdreg $0xFFFFFFFF  }
0xc3: {  	_ =	task.clear_ibuf [dreg:s7], $0x2FFFF;
	_ =	strace $0x9FFFFFFF  }
0xc4: {  	(tm) =	ssettm $0x7FFFFFFF  }
0xc5: {  	_ =	shalt  }
tec
execute0_lowered:
.L_overlay_start_1:
0x0: {  	(tag) =	ssettag $0x1  }
0x1: {  	s18 =	stileid.u32  }
0x2: {  	s0 =	rddreg [dreg:$0x0];
	s9 =	smul.u32 $0x13880, s18  }
0x3: {  	s4 =	srdreg.scid;
	s13 =	smul.u32 $0x2710, s18  }
0x4: {  	s3 =	rddreg [dreg:$0x1];
	s7 =	sand.u32 $0x1, s4;
	s15 =	smul.u32 $0x271, s18  }
0x5: {  	s1 =	rddreg [dreg:$0x2];
	s5 =	smul.u32 $0x138800, s7  }
0x6: {  	s2 =	rddreg [dreg:$0x3];
	s4 =	simm.s32 $0x0;
	s8 =	smul.u32 $0x27100, s7  }
0x7: {  	[smem:$0x7FF] =	sst s4;
	s14 =	ssub.s32 $0x2, s7;
	s7 =	smul.u32 $0x4E30, s7  }
0x8: {  	_ =	strace $0x80000047;
	s16 =	sshrl.u32 s14, $0x1;
	s24 =	sadd.s32 $0x58, s15  }
0x9: {  	s19 =	sadd.s32 s9, s1;
	s21 =	sadd.s32 s13, s2;
	s29 =	sadd.s32 $0xB0, s15  }
0xa: {  	s31 =	sadd.s32 $0x108, s15;
	s22 =	sadd.s32 $0x160, s15;
	s6 =	sshrl.u32 s5, $0x4  }
0xb: {  	s23 =	sshrl.u32 s8, $0x3;
	s12 =	sadd.s32 s9, s5;
	s5 =	sadd.s32 $0x32A00, s0  }
0xc: {  	s8 =	sadd.s32 s13, s8;
	s25 =	sshll.u32 s24, $0x7;
	s26 =	sshll.u32 s24, $0x4  }
0xd: {  	s30 =	sshll.u32 s29, $0x7;
	s17 =	sshll.u32 s31, $0x7;
	[dreg:$0x5] =	wrdreg s19  }
0xe: {  	s24 =	sshll.u32 s22, $0x7;
	[dreg:$0x6] =	wrdreg s21;
	s10 =	sadd.s32 s6, s0  }
0xf: {  	s11 =	sadd.s32 s23, s0;
	s6 =	sadd.s32 $0x37A00, s0;
	s12 =	sshrl.u32 s12, $0x3  }
0x10: {  	s8 =	sshrl.u32 s8, $0x3;
	s9 =	sadd.s32 s25, s1;
	s20 =	sadd.s32 s17, s1  }
0x11: {  	s23 =	sshll.u32 s31, $0x4;
	s25 =	sadd.s32 s24, s1;
	s17 =	sadd.s32 s3, s7  }
0x12: {  	s31 =	sadd.s32 $0x210, s15;
	s12 =	sadd.s32 s12, s0;
	s0 =	sadd.s32 s8, s0  }
0x13: {  	s8 =	ssub.s32 s14, s16;
	[dreg:$0x7] =	wrdreg s9;
	s9 =	sadd.s32 s26, s2  }
0x14: {  	s16 =	sshll.u32 s29, $0x4;
	[dreg:$0xb] =	wrdreg s20;
	s13 =	sadd.s32 s23, s2  }
0x15: {  	[dreg:$0xd] =	wrdreg s25;
	s26 =	sadd.s32 $0x1B8, s15;
	s14 =	sshll.u32 s31, $0x7  }
0x16: {  	s20 =	sadd.s32 $0x268, s15;
	s23 =	smul.u32 $0xB, s18;
	s28 =	sadd.s32 $0x28C00, s11  }
0x17: {  	s15 =	simm.s32 $0x4E08;
	[dreg:$0x8] =	wrdreg s9;
	s9 =	sadd.s32 s30, s1  }
0x18: {  	[dreg:$0xc] =	wrdreg s13;
	s29 =	sshll.u32 s26, $0x7;
	s30 =	sshll.u32 s26, $0x4  }
0x19: {  	s7 =	sshll.u32 s20, $0x4;
	s0 =	sadd.s32 $0x3CA00, s0;
	[dreg:$0x9] =	wrdreg s9  }
0x1a: {  	s9 =	sadd.s32 s16, s2;
	s3 =	sadd.s32 s29, s1;
	[dreg:$0x18] =	wrdreg s0  }
0x1b: {  	s13 =	sadd.s32 s30, s2;
	s16 =	sshll.u32 s31, $0x4;
	[dreg:$0xa] =	wrdreg s9  }
0x1c: {  	s25 =	sadd.s32 s7, s2;
	s26 =	sadd.s32 s5, s23;
	[dreg:$0xf] =	wrdreg s3  }
0x1d: {  	s29 =	sadd.s32 s6, s23;
	s30 =	sadd.s32 $0x46800, s12;
	[dreg:$0x10] =	wrdreg s13  }
0x1e: {  	s31 =	smax.u32 s8, $0x1;
	s0 =	sor.u32 $0x20, s18;
	[dreg:$0x14] =	wrdreg s25  }
0x1f: {  	s12 =	simm.s32 $0x58;
	s18 =	simm.s32 $0x4;
	[dreg:$0x15] =	wrdreg s26  }
0x20: {  	s23 =	simm.s32 $0x5;
	s7 =	simm.s32 $0x0;
	[dreg:$0x16] =	wrdreg s29  }
0x21: {  	s9 =	sshll.u32 s22, $0x4;
	s3 =	sadd.s32 s14, s1;
	[dreg:$0x17] =	wrdreg s30  }
0x22: {  	s22 =	sshll.u32 s20, $0x7;
	s26 =	sadd.s32 $0x1A00, s10;
	[dreg:$0x19] =	wrdreg s31  }
0x23: {  	s10 =	simm.s32 $0x7;
	s9 =	sadd.s32 s9, s2;
	[dreg:$0x11] =	wrdreg s3  }
0x24: {  	s14 =	simm.s32 $0x4DB0;
	s3 =	sadd.s32 s16, s2;
	[dreg:$0xe] =	wrdreg s9  }
0x25: {  	s20 =	simm.s32 $0x9060;
	s24 =	sadd.s32 s22, s1;
	[dreg:$0x12] =	wrdreg s3  }
0x26: {  	v0 =	vimm.f32 $0.0e+00;
	s16 =	simm.s32 $0x2;
	s22 =	simm.s32 $0x3;
	[dreg:$0x13] =	wrdreg s24  }
.LBB2_1:
0x27: {  	s3 =	simm.s32 $0x16F0  }
0x28: {  	[tilespmem:s3+$0xFFFFFFD0] =	vst v0  }
0x29: {  	[tilespmem:s3+$0xFFFFFFE0] =	vst v0  }
0x2a: {  	[tilespmem:s3+$0xFFFFFFF0] =	vst v0  }
0x2b: {  	[tilespmem:s3+$0x0] =	vst v0  }
0x2c: {  	[tilespmem:s3+$0x10] =	vst v0  }
0x2d: {  	[tilespmem:s3+$0x20] =	vst v0  }
0x2e: {  	[tilespmem:s3+$0x30] =	vst v0  }
0x2f: {  	[dreg:$0x1a] =	wrdreg s7;
	s8 =	simm.s32 $0x0;
	s7 =	simm.s32 $0x40;
	[tilespmem:s3+$0xFFFFFFC0] =	vst v0  }
.LBB2_2:
0x30: {  	p0 =	sne.s32 s7, $0x15C0;
	[tilespmem:s8+$0x42B0] =	vst v0;
	s3 =	sadd.s32 $0x80, s3  }
0x31: {  	[tilespmem:s3+$0xFFFFFFD0] =	vst v0  }
0x32: {  	[tilespmem:s3+$0xFFFFFFE0] =	vst v0  }
0x33: {  	[tilespmem:s3+$0xFFFFFFF0] =	vst v0  }
.Ltmp0:
0x34: {  	[tilespmem:s3+$0x0] =	vst v0;
	(pc) =	sbr.rel @p0 .LBB2_2-.Ltmp0, $4  }
0x35: {  	[tilespmem:s3+$0x10] =	vst v0  }
0x36: {  	[tilespmem:s3+$0x20] =	vst v0  }
0x37: {  	[tilespmem:s3+$0x30] =	vst v0  }
0x38: {  	s8 =	sshra.s32 s7, $0x2;
	s7 =	sadd.s32 $0x40, s7;
	[tilespmem:s3+$0xFFFFFFC0] =	vst v0  }
0x39: {  	[tilespmem:s8+$0x42B0] =	vst v0;
	s7 =	simm.s32 $0x16B0  }
0x3a: {  	[spmem:s19] =	stream.linear.scatter [tilespmem:s7], [sflag:$0x7], $0x2C00, $0x38;
	[tilespmem:$0x1FB38] =	vst v63  }
0x3b: {  	_ =	swait.ge [sflag:s10], $0x2C00  }
0x3c: {  	[sflag:s10] =	ssyncset.done $0x0  }
0x3d: {  	s8 =	simm.s32 $0x42B0;
	[sflag:s10] =	ssyncadd.s32 $0xFFFFD400  }
0x3e: {  	[spmem:s21] =	stream.linear.scatter [tilespmem:s8], [sflag:$0x7], $0x580, $0x38;
	[tilespmem:$0x1FB38] =	vst v63  }
0x3f: {  	_ =	swait.ge [sflag:s10], $0x580  }
0x40: {  	[sflag:s10] =	ssyncset.done $0x0  }
0x41: {  	s3 =	rddreg [dreg:$0x7];
	[sflag:s10] =	ssyncadd.s32 $0xFFFFFA80  }
0x42: {  	[spmem:s3] =	stream.linear.scatter [tilespmem:s7], [sflag:$0x7], $0x2C00, $0x38;
	[tilespmem:$0x1FB38] =	vst v63  }
0x43: {  	_ =	swait.ge [sflag:s10], $0x2C00  }
0x44: {  	[sflag:s10] =	ssyncset.done $0x0  }
0x45: {  	s9 =	rddreg [dreg:$0x8];
	[sflag:s10] =	ssyncadd.s32 $0xFFFFD400  }
0x46: {  	[spmem:s9] =	stream.linear.scatter [tilespmem:s8], [sflag:$0x7], $0x580, $0x38;
	[tilespmem:$0x1FB38] =	vst v63  }
0x47: {  	_ =	swait.ge [sflag:s10], $0x580  }
0x48: {  	[sflag:s10] =	ssyncset.done $0x0  }
0x49: {  	s11 =	rddreg [dreg:$0x9];
	[sflag:s10] =	ssyncadd.s32 $0xFFFFFA80  }
0x4a: {  	[spmem:s11] =	stream.linear.scatter [tilespmem:s7], [sflag:$0x7], $0x2C00, $0x38;
	[tilespmem:$0x1FB38] =	vst v63  }
0x4b: {  	_ =	swait.ge [sflag:s10], $0x2C00  }
0x4c: {  	[sflag:s10] =	ssyncset.done $0x0  }
0x4d: {  	s13 =	rddreg [dreg:$0xa];
	[sflag:s10] =	ssyncadd.s32 $0xFFFFD400  }
0x4e: {  	[spmem:s13] =	stream.linear.scatter [tilespmem:s8], [sflag:$0x7], $0x580, $0x38;
	[tilespmem:$0x1FB38] =	vst v63  }
0x4f: {  	_ =	swait.ge [sflag:s10], $0x580  }
0x50: {  	[sflag:s10] =	ssyncset.done $0x0  }
0x51: {  	s19 =	rddreg [dreg:$0xb];
	[sflag:s10] =	ssyncadd.s32 $0xFFFFFA80  }
0x52: {  	[spmem:s19] =	stream.linear.scatter [tilespmem:s7], [sflag:$0x7], $0x2C00, $0x38;
	[tilespmem:$0x1FB38] =	vst v63  }
0x53: {  	_ =	swait.ge [sflag:s10], $0x2C00  }
0x54: {  	[sflag:s10] =	ssyncset.done $0x0  }
0x55: {  	s21 =	rddreg [dreg:$0xc];
	[sflag:s10] =	ssyncadd.s32 $0xFFFFD400  }
0x56: {  	[spmem:s21] =	stream.linear.scatter [tilespmem:s8], [sflag:$0x7], $0x580, $0x38;
	[tilespmem:$0x1FB38] =	vst v63  }
0x57: {  	_ =	swait.ge [sflag:s10], $0x580  }
0x58: {  	[sflag:s10] =	ssyncset.done $0x0  }
0x59: {  	s24 =	rddreg [dreg:$0xd];
	[sflag:s10] =	ssyncadd.s32 $0xFFFFFA80  }
0x5a: {  	[spmem:s24] =	stream.linear.scatter [tilespmem:s7], [sflag:$0x7], $0x2C00, $0x38;
	[tilespmem:$0x1FB38] =	vst v63  }
0x5b: {  	_ =	swait.ge [sflag:s10], $0x2C00  }
0x5c: {  	[sflag:s10] =	ssyncset.done $0x0  }
0x5d: {  	s25 =	rddreg [dreg:$0xe];
	[sflag:s10] =	ssyncadd.s32 $0xFFFFD400  }
0x5e: {  	[spmem:s25] =	stream.linear.scatter [tilespmem:s8], [sflag:$0x7], $0x580, $0x38;
	[tilespmem:$0x1FB38] =	vst v63  }
0x5f: {  	_ =	swait.ge [sflag:s10], $0x580  }
0x60: {  	[sflag:s10] =	ssyncset.done $0x0  }
0x61: {  	s29 =	rddreg [dreg:$0xf];
	[sflag:s10] =	ssyncadd.s32 $0xFFFFFA80  }
0x62: {  	[spmem:s29] =	stream.linear.scatter [tilespmem:s7], [sflag:$0x7], $0x2C00, $0x38;
	[tilespmem:$0x1FB38] =	vst v63  }
0x63: {  	_ =	swait.ge [sflag:s10], $0x2C00  }
0x64: {  	[sflag:s10] =	ssyncset.done $0x0  }
0x65: {  	s31 =	rddreg [dreg:$0x10];
	[sflag:s10] =	ssyncadd.s32 $0xFFFFD400  }
0x66: {  	[spmem:s31] =	stream.linear.scatter [tilespmem:s8], [sflag:$0x7], $0x580, $0x38;
	[tilespmem:$0x1FB38] =	vst v63  }
0x67: {  	_ =	swait.ge [sflag:s10], $0x580  }
0x68: {  	[sflag:s10] =	ssyncset.done $0x0  }
0x69: {  	s9 =	rddreg [dreg:$0x11];
	[sflag:s10] =	ssyncadd.s32 $0xFFFFFA80  }
0x6a: {  	[spmem:s9] =	stream.linear.scatter [tilespmem:s7], [sflag:$0x7], $0x2C00, $0x38;
	[tilespmem:$0x1FB38] =	vst v63  }
0x6b: {  	_ =	swait.ge [sflag:s10], $0x2C00  }
0x6c: {  	[sflag:s10] =	ssyncset.done $0x0  }
0x6d: {  	s11 =	rddreg [dreg:$0x12];
	[sflag:s10] =	ssyncadd.s32 $0xFFFFD400  }
0x6e: {  	[spmem:s11] =	stream.linear.scatter [tilespmem:s8], [sflag:$0x7], $0x580, $0x38;
	[tilespmem:$0x1FB38] =	vst v63  }
0x6f: {  	_ =	swait.ge [sflag:s10], $0x580  }
0x70: {  	[sflag:s10] =	ssyncset.done $0x0  }
0x71: {  	s13 =	rddreg [dreg:$0x13];
	[sflag:s10] =	ssyncadd.s32 $0xFFFFFA80  }
0x72: {  	[spmem:s13] =	stream.linear.scatter [tilespmem:s7], [sflag:$0x7], $0x480, $0x38;
	[tilespmem:$0x1FB38] =	vst v63  }
0x73: {  	_ =	swait.ge [sflag:s10], $0x480  }
0x74: {  	[sflag:s10] =	ssyncset.done $0x0  }
0x75: {  	s19 =	rddreg [dreg:$0x14];
	[sflag:s10] =	ssyncadd.s32 $0xFFFFFB80  }
0x76: {  	[spmem:s19] =	stream.linear.scatter [tilespmem:s8], [sflag:$0x7], $0x90, $0x38;
	[tilespmem:$0x1FB38] =	vst v63  }
0x77: {  	_ =	swait.ge [sflag:s10], $0x90  }
0x78: {  	[sflag:s10] =	ssyncset.done $0x0  }
0x79: {  	[sflag:s10] =	ssyncadd.s32 $0xFFFFFF70  }
0x7a: {  	[bflag:$0x0] =	sbarrier.arrive $0xFFFF  }
0x7b: {  	s30 =	simm.s32 $0x0;
	s21 =	rddreg [dreg:$0x15]  }
0x7c: {  	[tilespmem:s30], [sflag:$0x1] =	stream.linear.gather [hbm4b:s21+s30], $0x58, $0x38;
	[tilespmem:$0x1FB38] =	vst v63  }
0x7d: {  	s25 =	simm.s32 $0x1;
	s24 =	rddreg [dreg:$0x16]  }
0x7e: {  	[tilespmem:s12], [sflag:$0x1] =	stream.linear.gather [hbm4b:s24+s30], $0x58, $0x38;
	[tilespmem:$0x1FB38] =	vst v63  }
0x7f: {  	_ =	swait.ge [sflag:s25], $0x58  }
0x80: {  	[sflag:s25] =	ssyncset.done $0x0  }
0x81: {  	[sflag:s25] =	ssyncadd.s32 $0xFFFFFFA8  }
0x82: {  	_ =	swait.ge [sflag:s25], $0x58  }
0x83: {  	[sflag:s25] =	ssyncset.done $0x0  }
0x84: {  	s29 =	simm.s32 $0xB0;
	[sflag:s25] =	ssyncadd.s32 $0xFFFFFFA8  }
0x85: {  	[tilespmem:s29], [sflag:$0x2] =	stream.indirect.gather [hbm4b:s26+s12], $0x40, s30, s12, $0xb8;
	[tilespmem:$0x1FB38] =	vst v63  }
0x86: {  	_ = 	snop  }
0x87: {  	[tilespmem:s8], [sflag:$0x2] =	stream.indirect.gather [hbm4b:s28+s12], $0x10, s30, s12, $0xb8;
	[tilespmem:$0x1FB38] =	vst v63  }
0x88: {  	s31 =	simm.s32 $0x4830  }
0x89: {  	[tilespmem:s31], [sflag:$0x2] =	stream.indirect.gather [hbm4b:s17+s12], $0x10, s12, s12, $0xb8;
	[tilespmem:$0x1FB38] =	vst v63  }
.LBB2_4:
0x8a: {  	p0 =	seq.s32 s30, $0x0  }
0x8b: {  	s3 =	sshll.u32 s30, $0x1;
	s7 =	simm.s32 @!p0 $0x6  }
0x8c: {  	s31 =	sor.u32 $0x1, s3;
	_ =	swait.ge @!p0 [sflag:s7], $0x2C00  }
0x8d: {  	s8 =	stileid.u32;
	s3 =	sshll.u32 s31, $0x4;
	[sflag:s7] =	ssyncset.done @!p0 $0x0  }
0x8e: {  	s3 =	sor.u32 s8, s3;
	[sflag:s7] =	ssyncadd.s32 @!p0 $0xFFFFD400  }
0x8f: {  	s3 =	smul.u32 $0xB, s3;
	_ =	swait.ge @!p0 [sflag:s7], $0x580  }
0x90: {  	[sflag:s7] =	ssyncset.done @!p0 $0x0  }
0x91: {  	s19 =	sadd.s32 s5, s3;
	[sflag:s7] =	ssyncadd.s32 @!p0 $0xFFFFFA80  }
0x92: {  	[tilespmem:s14], [sflag:$0x4] =	stream.linear.gather [hbm4b:s19+s4], $0x58, $0x38;
	[tilespmem:$0x1FB38] =	vst v63  }
0x93: {  	s3 =	sadd.s32 s6, s3  }
0x94: {  	[tilespmem:s15], [sflag:$0x4] =	stream.linear.gather [hbm4b:s3+s4], $0x58, $0x38;
	[tilespmem:$0x1FB38] =	vst v63  }
0x95: {  	_ =	swait.ge [sflag:s16], $0x1600  }
0x96: {  	[sflag:s16] =	ssyncset.done $0x0  }
0x97: {  	[sflag:s16] =	ssyncadd.s32 $0xFFFFEA00  }
0x98: {  	_ =	swait.ge [sflag:s16], $0x580  }
0x99: {  	[sflag:s16] =	ssyncset.done $0x0  }
0x9a: {  	[sflag:s16] =	ssyncadd.s32 $0xFFFFFA80  }
0x9b: {  	_ =	swait.ge [sflag:s16], $0x580  }
0x9c: {  	[sflag:s16] =	ssyncset.done $0x0  }
0x9d: {  	s8 =	simm.s32 $0x42D0;
	[sflag:s16] =	ssyncadd.s32 $0xFFFFFA80  }
0x9e: {  	s21 =	simm.s32 $0x4850;
	v1 =	vld [tilespmem:s8+$0x10]  }
0x9f: {  	v2 =	vld [tilespmem:s21+$0x10];
	_ =	sdelay $0x4  }
0xa0: {  	v3 =	vld [tilespmem:s21+$0xFFFFFFE0];
	v1 =	vadd.f32 v2, v1  }
0xa1: {  	v4 =	vld [tilespmem:s21+$0xFFFFFFF0]  }
0xa2: {  	v2 =	vld [tilespmem:s8+$0xFFFFFFF0];
	v5 =	vmul.f32 $2.000000030e-01, v1  }
0xa3: {  	v6 =	vld [tilespmem:s8+$0xFFFFFFE0]  }
0xa4: {  	v1 =	vmax.f32 v1, v5  }
0xa5: {  	v1 =	vmul.f32 $1.442695020e+00, v1;
	_ =	sdelay $0x1  }
0xa6: {  	v2 =	vadd.f32 v4, v2;
	(erf) = vpow2.f32 v1  }
0xa7: {  	v1 =	vadd.f32 v3, v6  }
0xa8: {  	v3 =	vmul.f32 $2.000000030e-01, v2  }
0xa9: {  	s24 =	simm.s32 $0x130;
	v4 =	vmul.f32 $2.000000030e-01, v1  }
0xaa: {  	v2 =	vmax.f32 v2, v3;
	v3 =	vld [tilespmem:s24+$0x40]  }
0xab: {  	v5 =	vld [tilespmem:s8+$0x0];
	v2 =	vmul.f32 $1.442695020e+00, v2;
	v1 =	vmax.f32 v1, v4  }
0xac: {  	v4 =	vld [tilespmem:s21+$0x0];
	v1 =	vmul.f32 $1.442695020e+00, v1  }
0xad: {  	(erf) = vpow2.f32 v2  }
0xae: {  	(erf) = vpow2.f32 v1  }
0xaf: {  	v1 =	vunpack.i.l.bf16.f32 v3;
	v7 =	vpop (erf)  }
0xb0: {  	v2 =	vunpack.i.u.bf16.f32 v3;
	v1 =	vmul.f32 v7, v1  }
0xb1: {  	s13 =	simm.s32 $0x17B0;
	v3 =	vadd.f32 v4, v5;
	v2 =	vmul.f32 v7, v2  }
0xb2: {  	v4 =	vld [tilespmem:s24+$0xFFFFFF80];
	[tilespmem:s13+$0x80] =	vst v1  }
0xb3: {  	v1 =	vmul.f32 $2.000000030e-01, v3;
	[tilespmem:s13+$0x90] =	vst v2  }
0xb4: {  	v2 =	vld [tilespmem:s24+$0x50]  }
0xb5: {  	v1 =	vmax.f32 v3, v1  }
0xb6: {  	v5 =	vpop (erf);
	v1 =	vmul.f32 $1.442695020e+00, v1  }
0xb7: {  	v3 =	vunpack.i.l.bf16.f32 v4;
	v6 =	vpop (erf)  }
0xb8: {  	v9 =	vld [tilespmem:s24+$0x0];
	(erf) = vpow2.f32 v1;
	v1 =	vunpack.i.u.bf16.f32 v4;
	v3 =	vmul.f32 v6, v3  }
0xb9: {  	s25 =	simm.s32 $0x4890;
	v4 =	vld [tilespmem:s24+$0xFFFFFFC0];
	v1 =	vmul.f32 v6, v1;
	v8 =	vunpack.i.l.bf16.f32 v2  }
0xba: {  	s7 =	simm.s32 $0x4310;
	v15 =	vld [tilespmem:s25+$0xFFFFFFF0];
	v2 =	vunpack.i.u.bf16.f32 v2;
	[tilespmem:s13+$0xFFFFFF00] =	vst v3;
	v3 =	vmul.f32 v8, v7  }
0xbb: {  	[tilespmem:s13+$0xFFFFFF10] =	vst v1;
	v1 =	vmul.f32 v2, v7;
	v2 =	vld [tilespmem:s7+$0x10]  }
0xbc: {  	[tilespmem:s13+$0xA0] =	vst v3;
	v3 =	vld [tilespmem:s25+$0x10]  }
0xbd: {  	v8 =	vld [tilespmem:s24+$0xFFFFFF90]  }
0xbe: {  	[tilespmem:s13+$0xB0] =	vst v1;
	v12 =	vunpack.i.u.bf16.f32 v4;
	v1 =	vunpack.i.l.bf16.f32 v4;
	v4 =	vld [tilespmem:s7+$0xFFFFFFF0]  }
0xbf: {  	v10 =	vld [tilespmem:s24+$0x60]  }
0xc0: {  	v13 =	vunpack.i.l.bf16.f32 v9;
	v14 =	vmul.f32 v5, v1  }
0xc1: {  	v11 =	vld [tilespmem:s25+$0xFFFFFFE0];
	v1 =	vpop (erf);
	v2 =	vadd.f32 v3, v2;
	v3 =	vunpack.i.u.bf16.f32 v9;
	v9 =	vmul.f32 v5, v12  }
0xc2: {  	[tilespmem:s13+$0xFFFFFF80] =	vst v14;
	v12 =	vmul.f32 v1, v13;
	v13 =	vld [tilespmem:s7+$0xFFFFFFE0]  }
0xc3: {  	v3 =	vmul.f32 v1, v3;
	v14 =	vmul.f32 $2.000000030e-01, v2;
	[tilespmem:s13+$0xFFFFFF90] =	vst v9  }
0xc4: {  	v4 =	vadd.f32 v15, v4;
	v9 =	vunpack.i.u.bf16.f32 v8;
	v16 =	vunpack.i.l.bf16.f32 v10;
	v17 =	vld [tilespmem:s24+$0xFFFFFFD0]  }
0xc5: {  	v10 =	vunpack.i.u.bf16.f32 v10;
	[tilespmem:s13+$0x0] =	vst v12;
	v12 =	vmul.f32 v16, v7;
	v2 =	vmax.f32 v2, v14  }
0xc6: {  	v8 =	vunpack.i.l.bf16.f32 v8;
	[tilespmem:s13+$0x10] =	vst v3;
	v3 =	vld [tilespmem:s7+$0x0];
	v10 =	vmul.f32 v10, v7;
	v2 =	vmul.f32 $1.442695020e+00, v2  }
0xc7: {  	v8 =	vmul.f32 v8, v6;
	v9 =	vmul.f32 v9, v6;
	[tilespmem:s13+$0xC0] =	vst v12;
	v12 =	vld [tilespmem:s24+$0x10];
	v11 =	vadd.f32 v11, v13  }
0xc8: {  	v14 =	vld [tilespmem:s25+$0x0];
	[tilespmem:s13+$0xD0] =	vst v10;
	v10 =	vmul.f32 $2.000000030e-01, v4;
	(erf) = vpow2.f32 v2  }
0xc9: {  	[tilespmem:s13+$0xFFFFFF20] =	vst v8;
	v2 =	vld [tilespmem:s24+$0x70];
	v8 =	vmul.f32 $2.000000030e-01, v11;
	v15 =	vunpack.i.l.bf16.f32 v17  }
0xca: {  	[tilespmem:s13+$0xFFFFFF30] =	vst v9;
	v4 =	vmax.f32 v4, v10;
	v9 =	vmul.f32 v15, v5  }
0xcb: {  	s29 =	simm.s32 $0x230;
	v10 =	vld [tilespmem:s24+$0xFFFFFFA0];
	v13 =	vunpack.i.u.bf16.f32 v17;
	v4 =	vmul.f32 $1.442695020e+00, v4;
	v8 =	vmax.f32 v11, v8  }
0xcc: {  	v11 =	vmul.f32 v13, v5;
	v13 =	vld [tilespmem:s29+$0x40];
	v8 =	vmul.f32 $1.442695020e+00, v8;
	[tilespmem:s13+$0xFFFFFFA0] =	vst v9;
	v9 =	vunpack.i.u.bf16.f32 v12  }
0xcd: {  	v3 =	vadd.f32 v14, v3;
	(erf) = vpow2.f32 v4;
	v4 =	vmul.f32 v9, v1  }
0xce: {  	[tilespmem:s13+$0xFFFFFFB0] =	vst v11;
	v9 =	vunpack.i.l.bf16.f32 v2;
	(erf) = vpow2.f32 v8;
	v8 =	vunpack.i.l.bf16.f32 v12  }
0xcf: {  	v2 =	vunpack.i.u.bf16.f32 v2;
	v11 =	vld [tilespmem:s24+$0xFFFFFFE0];
	v9 =	vmul.f32 v9, v7;
	v12 =	vmul.f32 $2.000000030e-01, v3  }
0xd0: {  	v15 =	vld [tilespmem:s29+$0xFFFFFFC0];
	v2 =	vmul.f32 v2, v7;
	[tilespmem:s13+$0x30] =	vst v4;
	v4 =	vunpack.i.l.bf16.f32 v10;
	v14 =	vmul.f32 v8, v1  }
0xd1: {  	[tilespmem:s13+$0xE0] =	vst v9;
	v4 =	vmul.f32 v4, v6;
	v9 =	vunpack.i.l.bf16.f32 v13;
	v3 =	vmax.f32 v3, v12;
	v8 =	vpop (erf)  }
0xd2: {  	v13 =	vunpack.i.u.bf16.f32 v13;
	[tilespmem:s13+$0xF0] =	vst v2;
	v3 =	vmul.f32 $1.442695020e+00, v3;
	v9 =	vmul.f32 v8, v9  }
0xd3: {  	s25 =	simm.s32 $0x19B0;
	v10 =	vunpack.i.u.bf16.f32 v10;
	v12 =	vld [tilespmem:s29+$0xFFFFFF80];
	[tilespmem:s13+$0xFFFFFF40] =	vst v4;
	v4 =	vmul.f32 v8, v13  }
0xd4: {  	v10 =	vmul.f32 v10, v6;
	(erf) = vpow2.f32 v3;
	v3 =	vunpack.i.u.bf16.f32 v11;
	[tilespmem:s25+$0x80] =	vst v9  }
0xd5: {  	v13 =	vunpack.i.l.bf16.f32 v11;
	[tilespmem:s25+$0x90] =	vst v4;
	v4 =	vunpack.i.l.bf16.f32 v15  }
0xd6: {  	[tilespmem:s13+$0xFFFFFF50] =	vst v10;
	v9 =	vmul.f32 v13, v5;
	v10 =	vld [tilespmem:s29+$0x50]  }
0xd7: {  	s3 =	simm.s32 $0x4350;
	[tilespmem:s13+$0x20] =	vst v14;
	v11 =	vmul.f32 v3, v5;
	v3 =	vpop (erf)  }
0xd8: {  	v18 =	vld [tilespmem:s3+$0x10];
	v13 =	vunpack.i.l.bf16.f32 v12;
	v12 =	vunpack.i.u.bf16.f32 v12;
	[tilespmem:s13+$0xFFFFFFC0] =	vst v9;
	v9 =	vmul.f32 v3, v4;
	v4 =	vpop (erf)  }
0xd9: {  	s21 =	simm.s32 $0x48D0;
	v14 =	vld [tilespmem:s29+$0x0];
	[tilespmem:s8+$0x10] =	vst v7;
	v12 =	vmul.f32 v4, v12  }
0xda: {  	v20 =	vld [tilespmem:s21+$0xFFFFFFE0];
	[tilespmem:s13+$0xFFFFFFD0] =	vst v11  }
0xdb: {  	v11 =	vmul.f32 v4, v13;
	v13 =	vld [tilespmem:s24+$0x20];
	[tilespmem:s25+$0xFFFFFF10] =	vst v12;
	v12 =	vunpack.i.l.bf16.f32 v10  }
0xdc: {  	[tilespmem:s25+$0xFFFFFF80] =	vst v9;
	v9 =	vld [tilespmem:s24+$0xFFFFFFB0];
	v10 =	vunpack.i.u.bf16.f32 v10;
	v12 =	vmul.f32 v12, v8  }
0xdd: {  	v15 =	vunpack.i.u.bf16.f32 v15;
	[tilespmem:s25+$0xFFFFFF00] =	vst v11;
	v11 =	vld [tilespmem:s24+$0xFFFFFFF0];
	v10 =	vmul.f32 v10, v8  }
0xde: {  	v17 =	vunpack.i.l.bf16.f32 v14;
	v15 =	vmul.f32 v3, v15;
	v16 =	vld [tilespmem:s29+$0xFFFFFF90];
	v2 =	vpop (erf);
	[tilespmem:s25+$0xA0] =	vst v12  }
0xdf: {  	v12 =	vunpack.i.u.bf16.f32 v14;
	v14 =	vmul.f32 v2, v17;
	v17 =	vld [tilespmem:s21+$0x10];
	[tilespmem:s25+$0xB0] =	vst v10  }
0xe0: {  	[tilespmem:s25+$0xFFFFFF90] =	vst v15;
	v7 =	vunpack.i.l.bf16.f32 v13;
	v10 =	vmul.f32 v2, v12;
	v12 =	vld [tilespmem:s29+$0x60]  }
0xe1: {  	v15 =	vld [tilespmem:s29+$0xFFFFFFD0];
	v13 =	vunpack.i.u.bf16.f32 v13;
	v7 =	vmul.f32 v7, v1;
	[tilespmem:s25+$0x0] =	vst v14  }
0xe2: {  	v19 =	vunpack.i.l.bf16.f32 v9;
	v13 =	vmul.f32 v13, v1;
	v14 =	vld [tilespmem:s3+$0xFFFFFFF0];
	[tilespmem:s25+$0x10] =	vst v10  }
0xe3: {  	v9 =	vunpack.i.u.bf16.f32 v9;
	v19 =	vmul.f32 v19, v6;
	v10 =	vld [tilespmem:s21+$0xFFFFFFF0];
	v21 =	vunpack.i.l.bf16.f32 v16;
	[tilespmem:s13+$0x40] =	vst v7  }
0xe4: {  	v7 =	vmul.f32 v9, v6;
	v9 =	vunpack.i.u.bf16.f32 v16;
	[tilespmem:s13+$0x50] =	vst v13;
	v13 =	vld [tilespmem:s3+$0x0];
	v16 =	vmul.f32 v21, v4  }
0xe5: {  	v9 =	vmul.f32 v9, v4;
	[tilespmem:s13+$0xFFFFFF60] =	vst v19;
	v19 =	vld [tilespmem:s21+$0x0];
	v17 =	vadd.f32 v17, v18;
	v18 =	vunpack.i.l.bf16.f32 v12  }
0xe6: {  	v21 =	vunpack.i.l.bf16.f32 v15;
	[tilespmem:s25+$0xFFFFFF20] =	vst v16;
	v16 =	vld [tilespmem:s3+$0xFFFFFFE0];
	v12 =	vunpack.i.u.bf16.f32 v12;
	v18 =	vmul.f32 v18, v8  }
0xe7: {  	v15 =	vunpack.i.u.bf16.f32 v15;
	v21 =	vmul.f32 v21, v3;
	[tilespmem:s25+$0xFFFFFF30] =	vst v9;
	v12 =	vmul.f32 v12, v8  }
0xe8: {  	v15 =	vmul.f32 v15, v3;
	v9 =	vmul.f32 $2.000000030e-01, v17;
	[tilespmem:s25+$0xC0] =	vst v18  }
0xe9: {  	v10 =	vadd.f32 v10, v14;
	v14 =	vunpack.i.u.bf16.f32 v11;
	v11 =	vunpack.i.l.bf16.f32 v11;
	v18 =	vld [tilespmem:s29+$0x10];
	[tilespmem:s25+$0xD0] =	vst v12  }
0xea: {  	[tilespmem:s13+$0xFFFFFF70] =	vst v7;
	v9 =	vmax.f32 v17, v9;
	v11 =	vmul.f32 v11, v5;
	v12 =	vadd.f32 v19, v13;
	v13 =	vld [tilespmem:s29+$0x70]  }
0xeb: {  	[tilespmem:s25+$0xFFFFFFB0] =	vst v15;
	v9 =	vmul.f32 $1.442695020e+00, v9;
	v15 =	vmul.f32 $2.000000030e-01, v10;
	v16 =	vadd.f32 v20, v16  }
0xec: {  	[tilespmem:s8+$0xFFFFFFE0] =	vst v6;
	v14 =	vmul.f32 v14, v5;
	v7 =	vmul.f32 $2.000000030e-01, v12  }
0xed: {  	[tilespmem:s25+$0xFFFFFFA0] =	vst v21;
	(erf) = vpow2.f32 v9;
	v6 =	vmax.f32 v10, v15;
	v9 =	vmul.f32 $2.000000030e-01, v16  }
0xee: {  	[tilespmem:s13+$0xFFFFFFE0] =	vst v11;
	v15 =	vld [tilespmem:s29+$0xFFFFFFA0];
	v6 =	vmul.f32 $1.442695020e+00, v6;
	v7 =	vmax.f32 v12, v7;
	v10 =	vunpack.i.u.bf16.f32 v18  }
0xef: {  	v11 =	vld [tilespmem:s29+$0xFFFFFFE0];
	[tilespmem:s13+$0xFFFFFFF0] =	vst v14;
	v10 =	vmul.f32 v10, v2;
	v9 =	vmax.f32 v16, v9;
	v12 =	vunpack.i.l.bf16.f32 v13  }
0xf0: {  	[tilespmem:s8+$0xFFFFFFF0] =	vst v5;
	v13 =	vunpack.i.u.bf16.f32 v13;
	(erf) = vpow2.f32 v6;
	v12 =	vmul.f32 v12, v8  }
0xf1: {  	s19 =	simm.s32 $0x330;
	v5 =	vmul.f32 $1.442695020e+00, v9;
	v6 =	vmul.f32 v13, v8;
	[tilespmem:s25+$0x30] =	vst v10  }
0xf2: {  	v7 =	vmul.f32 $1.442695020e+00, v7;
	v9 =	vld [tilespmem:s19+$0x40];
	v13 =	vunpack.i.l.bf16.f32 v18;
	[tilespmem:s25+$0xE0] =	vst v12  }
0xf3: {  	v10 =	vld [tilespmem:s24+$0x30];
	v13 =	vmul.f32 v13, v2;
	(erf) = vpow2.f32 v5;
	v5 =	vunpack.i.l.bf16.f32 v15;
	[tilespmem:s25+$0xF0] =	vst v6  }
0xf4: {  	v12 =	vld [tilespmem:s19+$0xFFFFFF80];
	v6 =	vunpack.i.u.bf16.f32 v15;
	v15 =	vunpack.i.u.bf16.f32 v11;
	v14 =	vmul.f32 v5, v4;
	[tilespmem:s7+$0x10] =	vst v8  }
0xf5: {  	v11 =	vunpack.i.l.bf16.f32 v11;
	(erf) = vpow2.f32 v7;
	v7 =	vld [tilespmem:s19+$0xFFFFFFC0];
	v6 =	vmul.f32 v6, v4;
	[tilespmem:s25+$0x20] =	vst v13  }
0xf6: {  	v8 =	vld [tilespmem:s19+$0x0];
	v11 =	vmul.f32 v11, v3;
	[tilespmem:s25+$0xFFFFFF40] =	vst v14  }
0xf7: {  	v16 =	vunpack.i.l.bf16.f32 v9;
	v5 =	vpop (erf);
	[tilespmem:s25+$0xFFFFFF50] =	vst v6;
	v6 =	vmul.f32 v15, v3  }
0xf8: {  	v9 =	vunpack.i.u.bf16.f32 v9;
	[tilespmem:s25+$0xFFFFFFC0] =	vst v11;
	v13 =	vmul.f32 v5, v16;
	v16 =	vld [tilespmem:s29+$0x20]  }
0xf9: {  	s24 =	simm.s32 $0x1BB0;
	v14 =	vunpack.i.u.bf16.f32 v10;
	v9 =	vmul.f32 v5, v9;
	v18 =	vld [tilespmem:s29+$0xFFFFFFB0];
	v10 =	vunpack.i.l.bf16.f32 v10;
	[tilespmem:s25+$0xFFFFFFD0] =	vst v6  }
0xfa: {  	v15 =	vunpack.i.u.bf16.f32 v12;
	v12 =	vunpack.i.l.bf16.f32 v12;
	v10 =	vmul.f32 v10, v1;
	[tilespmem:s24+$0x80] =	vst v13  }
0xfb: {  	v13 =	vunpack.i.u.bf16.f32 v7;
	v17 =	vunpack.i.l.bf16.f32 v7;
	[tilespmem:s24+$0x90] =	vst v9;
	v19 =	vunpack.i.u.bf16.f32 v8;
	v7 =	vpop (erf);
	v22 =	vld [tilespmem:s29+$0xFFFFFFF0]  }
0xfc: {  	v9 =	vmul.f32 v14, v1;
	v11 =	vunpack.i.l.bf16.f32 v8;
	v20 =	vld [tilespmem:s19+$0x50];
	v14 =	vmul.f32 v7, v17  }
0xfd: {  	v17 =	vmul.f32 v7, v13;
	[tilespmem:s13+$0x60] =	vst v10;
	v8 =	vpop (erf);
	v21 =	vunpack.i.u.bf16.f32 v16;
	v10 =	vunpack.i.l.bf16.f32 v16  }
0xfe: {  	v16 =	vunpack.i.u.bf16.f32 v18;
	v12 =	vmul.f32 v8, v12;
	v15 =	vmul.f32 v8, v15  }
0xff: {  	[tilespmem:s24+$0xFFFFFF80] =	vst v14;
	v6 =	vpop (erf);
	v14 =	vmul.f32 v10, v2;
	v10 =	vmul.f32 v16, v4  }
0x100: {  	v23 =	vmul.f32 v6, v11;
	v13 =	vmul.f32 v6, v19;
	[tilespmem:s24+$0xFFFFFF00] =	vst v12  }
0x101: {  	v11 =	vunpack.i.l.bf16.f32 v18;
	v18 =	vunpack.i.l.bf16.f32 v22;
	[tilespmem:s24+$0xFFFFFF10] =	vst v15;
	v15 =	vunpack.i.l.bf16.f32 v20  }
0x102: {  	[tilespmem:s24+$0xFFFFFF90] =	vst v17;
	v12 =	vmul.f32 v21, v2;
	v17 =	vunpack.i.u.bf16.f32 v20;
	v16 =	vld [tilespmem:s19+$0xFFFFFF90];
	v19 =	vmul.f32 v15, v5  }
0x103: {  	s9 =	simm.s32 $0x8;
	s11 =	simm.s32 $0x4390;
	v11 =	vmul.f32 v11, v4;
	v15 =	vld [tilespmem:s19+$0xFFFFFFD0];
	[tilespmem:s24+$0x0] =	vst v23;
	v20 =	vmul.f32 v17, v5;
	v17 =	vunpack.i.u.bf16.f32 v22  }
.LBB2_5:
0x104: {  	v21 =	vld [tilespmem:s11+$0x10];
	[tilespmem:s24+$0xA0] =	vst v19;
	s21 =	sadd.s32 $0x40, s21;
	v18 =	vmul.f32 v18, v3;
	v17 =	vmul.f32 v17, v3  }
0x105: {  	v19 =	vld [tilespmem:s21+$0x10];
	[tilespmem:s24+$0xB0] =	vst v20  }
0x106: {  	[tilespmem:s24+$0x10] =	vst v13;
	v13 =	vld [tilespmem:s19+$0x60]  }
0x107: {  	v20 =	vld [tilespmem:s21+$0xFFFFFFE0];
	v22 =	vunpack.i.u.bf16.f32 v16;
	v16 =	vunpack.i.l.bf16.f32 v16;
	[tilespmem:s25+$0x40] =	vst v14  }
0x108: {  	v14 =	vld [tilespmem:s11+$0xFFFFFFF0];
	v16 =	vmul.f32 v16, v8;
	v23 =	vunpack.i.u.bf16.f32 v15;
	v15 =	vunpack.i.l.bf16.f32 v15;
	[tilespmem:s25+$0x50] =	vst v12  }
0x109: {  	v22 =	vmul.f32 v22, v8;
	v12 =	vld [tilespmem:s21+$0xFFFFFFF0];
	v15 =	vmul.f32 v15, v7;
	[tilespmem:s25+$0xFFFFFF60] =	vst v11  }
0x10a: {  	v11 =	vld [tilespmem:s11+$0x0];
	[tilespmem:s24+$0xFFFFFF20] =	vst v16;
	v16 =	vmul.f32 v23, v7  }
0x10b: {  	s9 =	sadd.s32 $0x4, s9;
	v19 =	vadd.f32 v19, v21;
	v23 =	vld [tilespmem:s21+$0x0];
	[tilespmem:s24+$0xFFFFFF30] =	vst v22;
	v21 =	vunpack.i.l.bf16.f32 v13  }
0x10c: {  	p0 =	slt.u32 s9, $0x54;
	v13 =	vunpack.i.u.bf16.f32 v13;
	v22 =	vld [tilespmem:s11+$0xFFFFFFE0];
	[tilespmem:s24+$0xFFFFFFA0] =	vst v15;
	v15 =	vmul.f32 v21, v5  }
0x10d: {  	v21 =	vmul.f32 $2.000000030e-01, v19;
	v13 =	vmul.f32 v13, v5;
	[tilespmem:s24+$0xFFFFFFB0] =	vst v16;
	v16 =	vld [tilespmem:s19+$0x10]  }
0x10e: {  	v12 =	vadd.f32 v12, v14;
	v14 =	vld [tilespmem:s19+$0xFFFFFFA0];
	[tilespmem:s24+$0xC0] =	vst v15  }
0x10f: {  	v15 =	vmax.f32 v19, v21;
	v19 =	vld [tilespmem:s19+$0xFFFFFFE0];
	[tilespmem:s24+$0xD0] =	vst v13  }
0x110: {  	v15 =	vmul.f32 $1.442695020e+00, v15;
	v13 =	vmul.f32 $2.000000030e-01, v12;
	v11 =	vadd.f32 v23, v11;
	v21 =	vld [tilespmem:s19+$0x70];
	[tilespmem:s25+$0xFFFFFF70] =	vst v10  }
0x111: {  	v10 =	vadd.f32 v20, v22;
	[tilespmem:s7+$0xFFFFFFE0] =	vst v4;
	v20 =	vld [tilespmem:s29+$0x30];
	v4 =	vmov v8;
	s29 =	smov.u32 s19  }
0x112: {  	v8 =	vmax.f32 v12, v13;
	v12 =	vmul.f32 $2.000000030e-01, v11;
	(erf) = vpow2.f32 v15;
	[tilespmem:s25+$0xFFFFFFE0] =	vst v18  }
0x113: {  	v15 =	vunpack.i.u.bf16.f32 v16;
	v13 =	vmul.f32 $2.000000030e-01, v10;
	v8 =	vmul.f32 $1.442695020e+00, v8;
	[tilespmem:s25+$0xFFFFFFF0] =	vst v17  }
0x114: {  	v15 =	vmul.f32 v15, v6;
	v11 =	vmax.f32 v11, v12;
	v12 =	vunpack.i.l.bf16.f32 v16;
	[tilespmem:s7+$0xFFFFFFF0] =	vst v3;
	v3 =	vmovc v7  }
0x115: {  	s19 =	sadd.s32 $0x100, s19;
	v7 =	vmax.f32 v10, v13;
	v10 =	vmul.f32 $1.442695020e+00, v11;
	v11 =	vunpack.i.l.bf16.f32 v21;
	[tilespmem:s13+$0x70] =	vst v9;
	s13 =	smov.u32 s25;
	s25 =	smov.u32 s24  }
0x116: {  	v13 =	vunpack.i.u.bf16.f32 v21;
	v7 =	vmul.f32 $1.442695020e+00, v7;
	v9 =	vld [tilespmem:s19+$0x40];
	[tilespmem:s24+$0x30] =	vst v15;
	v11 =	vmul.f32 v11, v5  }
0x117: {  	v13 =	vmul.f32 v13, v5;
	v15 =	vld [tilespmem:s19+$0xFFFFFF80];
	(erf) = vpow2.f32 v8;
	v8 =	vunpack.i.u.bf16.f32 v14;
	[tilespmem:s8+$0x0] =	vst v1;
	v1 =	vmovc v2;
	v2 =	vmovc v6;
	s8 =	smov.u32 s7;
	s7 =	smov.u32 s3;
	s3 =	smov.u32 s11  }
0x118: {  	v6 =	vld [tilespmem:s19+$0xFFFFFFC0];
	(erf) = vpow2.f32 v7;
	v7 =	vunpack.i.l.bf16.f32 v14;
	v12 =	vmul.f32 v12, v2;
	[tilespmem:s24+$0xE0] =	vst v11  }
0x119: {  	v14 =	vunpack.i.l.bf16.f32 v19;
	v11 =	vld [tilespmem:s19+$0x0];
	(erf) = vpow2.f32 v10;
	v10 =	vunpack.i.u.bf16.f32 v19;
	[tilespmem:s24+$0xF0] =	vst v13  }
0x11a: {  	v8 =	vmul.f32 v8, v4;
	v7 =	vmul.f32 v7, v4;
	v13 =	vunpack.i.u.bf16.f32 v20;
	[tilespmem:s7+$0x10] =	vst v5  }
0x11b: {  	v14 =	vmul.f32 v14, v3;
	v10 =	vmul.f32 v10, v3;
	v16 =	vunpack.i.l.bf16.f32 v9;
	v5 =	vpop (erf);
	[tilespmem:s24+$0x20] =	vst v12  }
0x11c: {  	v9 =	vunpack.i.u.bf16.f32 v9;
	v12 =	vunpack.i.u.bf16.f32 v15;
	v16 =	vmul.f32 v5, v16;
	[tilespmem:s24+$0xFFFFFF40] =	vst v7;
	v17 =	vld [tilespmem:s29+$0x20]  }
0x11d: {  	v15 =	vunpack.i.l.bf16.f32 v15;
	v21 =	vmul.f32 v5, v9;
	s24 =	sadd.s32 $0x200, s24;
	v18 =	vunpack.i.u.bf16.f32 v6;
	[tilespmem:s25+$0xFFFFFF50] =	vst v8  }
0x11e: {  	v6 =	vunpack.i.l.bf16.f32 v6;
	v19 =	vunpack.i.u.bf16.f32 v11;
	v11 =	vunpack.i.l.bf16.f32 v11;
	[tilespmem:s24+$0x80] =	vst v16;
	v16 =	vld [tilespmem:s29+$0xFFFFFFB0]  }
0x11f: {  	v9 =	vmul.f32 v13, v1;
	[tilespmem:s24+$0x90] =	vst v21;
	v21 =	vunpack.i.l.bf16.f32 v20  }
0x120: {  	v20 =	vld [tilespmem:s19+$0x50];
	v7 =	vpop (erf);
	[tilespmem:s25+$0xFFFFFFC0] =	vst v14;
	v13 =	vmul.f32 v21, v1  }
0x121: {  	v14 =	vmul.f32 v7, v6;
	v18 =	vmul.f32 v7, v18;
	v8 =	vpop (erf);
	[tilespmem:s25+$0xFFFFFFD0] =	vst v10;
	v10 =	vunpack.i.u.bf16.f32 v17  }
0x122: {  	v15 =	vmul.f32 v8, v15;
	v21 =	vmul.f32 v8, v12;
	v6 =	vpop (erf);
	v22 =	vld [tilespmem:s29+$0xFFFFFFF0];
	v12 =	vunpack.i.l.bf16.f32 v17;
	[tilespmem:s13+$0x60] =	vst v13  }
.Ltmp1:
0x123: {  	[tilespmem:s24+$0xFFFFFF80] =	vst v14;
	v17 =	vmul.f32 v6, v11;
	v13 =	vmul.f32 v6, v19;
	v19 =	vunpack.i.u.bf16.f32 v16;
	(pc) =	sbr.rel @p0 .LBB2_5-.Ltmp1, $4  }
0x124: {  	v11 =	vunpack.i.l.bf16.f32 v16;
	v14 =	vmul.f32 v12, v2;
	v12 =	vmul.f32 v10, v2;
	[tilespmem:s24+$0xFFFFFF00] =	vst v15  }
0x125: {  	v11 =	vmul.f32 v11, v4;
	v10 =	vmul.f32 v19, v4;
	[tilespmem:s24+$0xFFFFFF10] =	vst v21;
	v15 =	vunpack.i.l.bf16.f32 v20  }
0x126: {  	v16 =	vld [tilespmem:s19+$0xFFFFFF90];
	[tilespmem:s24+$0xFFFFFF90] =	vst v18;
	v18 =	vunpack.i.u.bf16.f32 v20;
	v19 =	vmul.f32 v15, v5  }
0x127: {  	s11 =	sadd.s32 $0x40, s11;
	v15 =	vld [tilespmem:s19+$0xFFFFFFD0];
	[tilespmem:s24+$0x0] =	vst v17;
	v20 =	vmul.f32 v18, v5;
	v17 =	vunpack.i.u.bf16.f32 v22;
	v18 =	vunpack.i.l.bf16.f32 v22  }
0x128: {  	[tilespmem:s24+$0xA0] =	vst v19  }
0x129: {  	[tilespmem:s24+$0x10] =	vst v13  }
0x12a: {  	[tilespmem:s25+$0x40] =	vst v14  }
0x12b: {  	[tilespmem:s25+$0x50] =	vst v12  }
0x12c: {  	[tilespmem:s24+$0xB0] =	vst v20  }
0x12d: {  	[tilespmem:s25+$0xFFFFFF60] =	vst v11;
	v13 =	vld [tilespmem:s19+$0x60]  }
0x12e: {  	[tilespmem:s25+$0xFFFFFF70] =	vst v10;
	v14 =	vunpack.i.u.bf16.f32 v16  }
0x12f: {  	[tilespmem:s13+$0x70] =	vst v9;
	v12 =	vunpack.i.l.bf16.f32 v15;
	v14 =	vmul.f32 v14, v8  }
0x130: {  	[tilespmem:s7+$0xFFFFFFE0] =	vst v4;
	v11 =	vunpack.i.u.bf16.f32 v15;
	v12 =	vmul.f32 v12, v7  }
0x131: {  	v19 =	vunpack.i.l.bf16.f32 v16;
	v11 =	vmul.f32 v11, v7;
	[tilespmem:s24+$0xFFFFFF30] =	vst v14  }
0x132: {  	v16 =	vmul.f32 v19, v8;
	v14 =	vunpack.i.l.bf16.f32 v13;
	[tilespmem:s24+$0xFFFFFFA0] =	vst v12;
	v12 =	vunpack.i.u.bf16.f32 v13  }
0x133: {  	[tilespmem:s24+$0xFFFFFFB0] =	vst v11;
	v13 =	vmul.f32 v14, v5;
	v11 =	vmul.f32 v12, v5;
	v12 =	vld [tilespmem:s19+$0x10]  }
0x134: {  	[tilespmem:s24+$0xFFFFFF20] =	vst v16  }
0x135: {  	v10 =	vmul.f32 v17, v3;
	[tilespmem:s24+$0xC0] =	vst v13;
	v13 =	vld [tilespmem:s19+$0xFFFFFFA0]  }
0x136: {  	[tilespmem:s24+$0xD0] =	vst v11;
	v11 =	vmul.f32 v18, v3  }
0x137: {  	[tilespmem:s25+$0xFFFFFFF0] =	vst v10;
	v4 =	vld [tilespmem:s19+$0x70]  }
0x138: {  	v10 =	vld [tilespmem:s19+$0xFFFFFFE0];
	[tilespmem:s25+$0xFFFFFFE0] =	vst v11;
	v11 =	vunpack.i.u.bf16.f32 v12  }
0x139: {  	[tilespmem:s7+$0xFFFFFFF0] =	vst v3;
	v3 =	vunpack.i.l.bf16.f32 v12;
	v11 =	vmul.f32 v11, v6  }
0x13a: {  	[tilespmem:s8+$0x0] =	vst v1;
	v3 =	vmul.f32 v3, v6;
	v9 =	vunpack.i.l.bf16.f32 v13  }
0x13b: {  	[tilespmem:s24+$0x30] =	vst v11;
	v11 =	vunpack.i.u.bf16.f32 v13;
	v1 =	vmul.f32 v9, v8  }
0x13c: {  	v9 =	vld [tilespmem:s29+$0x30];
	v12 =	vunpack.i.l.bf16.f32 v4;
	[tilespmem:s24+$0x20] =	vst v3;
	v11 =	vmul.f32 v11, v8  }
0x13d: {  	v3 =	vmul.f32 v12, v5;
	v12 =	vunpack.i.l.bf16.f32 v10;
	[tilespmem:s24+$0xFFFFFF40] =	vst v1;
	v1 =	vld [tilespmem:s19+$0x20]  }
0x13e: {  	v10 =	vunpack.i.u.bf16.f32 v10;
	v12 =	vmul.f32 v12, v7;
	[tilespmem:s24+$0xFFFFFF50] =	vst v11  }
0x13f: {  	v4 =	vunpack.i.u.bf16.f32 v4;
	[tilespmem:s24+$0xE0] =	vst v3;
	v3 =	vmul.f32 v10, v7;
	v10 =	vld [tilespmem:s19+$0xFFFFFFB0]  }
0x140: {  	v4 =	vmul.f32 v4, v5;
	[tilespmem:s24+$0xFFFFFFC0] =	vst v12  }
0x141: {  	v11 =	vunpack.i.l.bf16.f32 v9;
	[tilespmem:s24+$0xFFFFFFD0] =	vst v3  }
0x142: {  	[tilespmem:s24+$0xF0] =	vst v4;
	v3 =	vmul.f32 v11, v2;
	v4 =	vld [tilespmem:s19+$0xFFFFFFF0];
	v11 =	vunpack.i.l.bf16.f32 v1  }
0x143: {  	[tilespmem:s3+$0x10] =	vst v5;
	v1 =	vunpack.i.u.bf16.f32 v1;
	v5 =	vmul.f32 v11, v6  }
0x144: {  	[tilespmem:s25+$0x60] =	vst v3;
	v1 =	vmul.f32 v1, v6;
	v3 =	vunpack.i.l.bf16.f32 v10  }
0x145: {  	v10 =	vunpack.i.u.bf16.f32 v10;
	v3 =	vmul.f32 v3, v8;
	[tilespmem:s24+$0x40] =	vst v5  }
0x146: {  	v5 =	vmul.f32 v10, v8;
	[tilespmem:s24+$0x50] =	vst v1  }
0x147: {  	v1 =	vunpack.i.l.bf16.f32 v4;
	[tilespmem:s24+$0xFFFFFF60] =	vst v3;
	v3 =	vld [tilespmem:s19+$0x30]  }
0x148: {  	v4 =	vunpack.i.u.bf16.f32 v4;
	v1 =	vmul.f32 v1, v7;
	[tilespmem:s24+$0xFFFFFF70] =	vst v5  }
0x149: {  	v4 =	vmul.f32 v4, v7;
	[tilespmem:s3+$0xFFFFFFE0] =	vst v8  }
0x14a: {  	v5 =	vunpack.i.u.bf16.f32 v9;
	[tilespmem:s24+$0xFFFFFFE0] =	vst v1  }
0x14b: {  	v1 =	vmul.f32 v5, v2;
	[tilespmem:s24+$0xFFFFFFF0] =	vst v4  }
0x14c: {  	[tilespmem:s3+$0xFFFFFFF0] =	vst v7;
	v4 =	vunpack.i.l.bf16.f32 v3  }
0x14d: {  	[tilespmem:s25+$0x70] =	vst v1;
	v1 =	vunpack.i.u.bf16.f32 v3;
	v3 =	vmul.f32 v4, v6  }
0x14e: {  	[tilespmem:s7+$0x0] =	vst v2;
	v1 =	vmul.f32 v1, v6  }
0x14f: {  	[tilespmem:s24+$0x60] =	vst v3  }
0x150: {  	[tilespmem:s24+$0x70] =	vst v1  }
0x151: {  	s24 =	simm.s32 $0x16B0;
	[tilespmem:s3+$0x0] =	vst v6  }
0x152: {  	[spmem:s1] =	stream.indirect.scatter.add.f32 [tilespmem:s24], [sflag:$0x3], $0x80, s12, s12, $0xb8;
	[tilespmem:$0x1FB38] =	vst v63  }
0x153: {  	s25 =	simm.s32 $0x42B0  }
0x154: {  	[spmem:s2] =	stream.indirect.scatter.add.f32 [tilespmem:s25], [sflag:$0x3], $0x10, s12, s12, $0xb8;
	[tilespmem:$0x1FB38] =	vst v63  }
0x155: {  	_ =	swait.ge [sflag:s18], $0x58  }
0x156: {  	[sflag:s18] =	ssyncset.done $0x0  }
0x157: {  	[sflag:s18] =	ssyncadd.s32 $0xFFFFFFA8  }
0x158: {  	_ =	swait.ge [sflag:s18], $0x58  }
0x159: {  	[sflag:s18] =	ssyncset.done $0x0  }
0x15a: {  	s7 =	simm.s32 $0x4E60;
	[sflag:s18] =	ssyncadd.s32 $0xFFFFFFA8  }
0x15b: {  	[tilespmem:s7], [sflag:$0x5] =	stream.indirect.gather [hbm4b:s26+s12], $0x40, s14, s12, $0xb8;
	[tilespmem:$0x1FB38] =	vst v63  }
0x15c: {  	_ = 	snop  }
0x15d: {  	[tilespmem:s20], [sflag:$0x5] =	stream.indirect.gather [hbm4b:s28+s12], $0x10, s14, s12, $0xb8;
	[tilespmem:$0x1FB38] =	vst v63  }
0x15e: {  	s8 =	simm.s32 $0x95E0  }
0x15f: {  	[tilespmem:s8], [sflag:$0x5] =	stream.indirect.gather [hbm4b:s17+s12], $0x10, s15, s12, $0xb8;
	[tilespmem:$0x1FB38] =	vst v63  }
0x160: {  	p0 =	sgt.u32 s31, $0x70;
	_ =	swait.ge [sflag:s22], $0x2C00  }
0x161: {  	s3 =	sshll.u32 @!p0 s30, $0x5;
	[sflag:s22] =	ssyncset.done $0x0  }
0x162: {  	s3 =	sadd.s32 @!p0 s0, s3;
	[sflag:s22] =	ssyncadd.s32 $0xFFFFD400  }
0x163: {  	s3 =	smul.u32 @!p0 $0xB, s3;
	_ =	swait.ge [sflag:s22], $0x580  }
0x164: {  	[sflag:s22] =	ssyncset.done $0x0  }
0x165: {  	s7 =	sadd.s32 @!p0 s5, s3;
	s8 =	simm.s32 @!p0 $0x0;
	[sflag:s22] =	ssyncadd.s32 $0xFFFFFA80  }
0x166: {  	[tilespmem:s8], [sflag:$0x1] =	stream.linear.gather @!p0 [hbm4b:s7+s8], $0x58, $0x38;
	[tilespmem:$0x1FB38] =	vst v63  }
0x167: {  	s3 =	sadd.s32 @!p0 s6, s3;
	s7 =	simm.s32 @!p0 $0x58  }
0x168: {  	[tilespmem:s7], [sflag:$0x1] =	stream.linear.gather @!p0 [hbm4b:s3+s8], $0x58, $0x38;
	[tilespmem:$0x1FB38] =	vst v63  }
0x169: {  	_ =	swait.ge [sflag:s23], $0x1600  }
0x16a: {  	[sflag:s23] =	ssyncset.done $0x0  }
0x16b: {  	[sflag:s23] =	ssyncadd.s32 $0xFFFFEA00  }
0x16c: {  	_ =	swait.ge [sflag:s23], $0x580  }
0x16d: {  	[sflag:s23] =	ssyncset.done $0x0  }
0x16e: {  	[sflag:s23] =	ssyncadd.s32 $0xFFFFFA80  }
0x16f: {  	_ =	swait.ge [sflag:s23], $0x580  }
0x170: {  	[sflag:s23] =	ssyncset.done $0x0  }
0x171: {  	s8 =	simm.s32 $0x9080;
	[sflag:s23] =	ssyncadd.s32 $0xFFFFFA80  }
0x172: {  	s9 =	simm.s32 $0x9600;
	v1 =	vld [tilespmem:s8+$0x10]  }
0x173: {  	v2 =	vld [tilespmem:s9+$0x10];
	_ =	sdelay $0x4  }
0x174: {  	v3 =	vld [tilespmem:s9+$0xFFFFFFE0];
	v1 =	vadd.f32 v2, v1  }
0x175: {  	v4 =	vld [tilespmem:s9+$0xFFFFFFF0]  }
0x176: {  	v2 =	vld [tilespmem:s8+$0xFFFFFFF0];
	v5 =	vmul.f32 $2.000000030e-01, v1  }
0x177: {  	v6 =	vld [tilespmem:s8+$0xFFFFFFE0]  }
0x178: {  	v1 =	vmax.f32 v1, v5  }
0x179: {  	v1 =	vmul.f32 $1.442695020e+00, v1;
	_ =	sdelay $0x1  }
0x17a: {  	v2 =	vadd.f32 v4, v2;
	(erf) = vpow2.f32 v1  }
0x17b: {  	v1 =	vadd.f32 v3, v6  }
0x17c: {  	v3 =	vmul.f32 $2.000000030e-01, v2  }
0x17d: {  	s11 =	simm.s32 $0x4EE0;
	v4 =	vmul.f32 $2.000000030e-01, v1  }
0x17e: {  	v2 =	vmax.f32 v2, v3;
	v3 =	vld [tilespmem:s11+$0x40]  }
0x17f: {  	v5 =	vld [tilespmem:s8+$0x0];
	v2 =	vmul.f32 $1.442695020e+00, v2;
	v1 =	vmax.f32 v1, v4  }
0x180: {  	v4 =	vld [tilespmem:s9+$0x0];
	v1 =	vmul.f32 $1.442695020e+00, v1  }
0x181: {  	(erf) = vpow2.f32 v2  }
0x182: {  	(erf) = vpow2.f32 v1  }
0x183: {  	v1 =	vunpack.i.l.bf16.f32 v3;
	v7 =	vpop (erf)  }
0x184: {  	v2 =	vunpack.i.u.bf16.f32 v3;
	v1 =	vmul.f32 v7, v1  }
0x185: {  	s13 =	simm.s32 $0x6560;
	v3 =	vadd.f32 v4, v5;
	v2 =	vmul.f32 v7, v2  }
0x186: {  	v4 =	vld [tilespmem:s11+$0xFFFFFF80];
	[tilespmem:s13+$0x80] =	vst v1  }
0x187: {  	v1 =	vmul.f32 $2.000000030e-01, v3;
	[tilespmem:s13+$0x90] =	vst v2  }
0x188: {  	v2 =	vld [tilespmem:s11+$0x50]  }
0x189: {  	v1 =	vmax.f32 v3, v1  }
0x18a: {  	v5 =	vpop (erf);
	v1 =	vmul.f32 $1.442695020e+00, v1  }
0x18b: {  	v3 =	vunpack.i.l.bf16.f32 v4;
	v6 =	vpop (erf)  }
0x18c: {  	v9 =	vld [tilespmem:s11+$0x0];
	(erf) = vpow2.f32 v1;
	v1 =	vunpack.i.u.bf16.f32 v4;
	v3 =	vmul.f32 v6, v3  }
0x18d: {  	s31 =	simm.s32 $0x9640;
	v4 =	vld [tilespmem:s11+$0xFFFFFFC0];
	v1 =	vmul.f32 v6, v1;
	v8 =	vunpack.i.l.bf16.f32 v2  }
0x18e: {  	s7 =	simm.s32 $0x90C0;
	v15 =	vld [tilespmem:s31+$0xFFFFFFF0];
	v2 =	vunpack.i.u.bf16.f32 v2;
	[tilespmem:s13+$0xFFFFFF00] =	vst v3;
	v3 =	vmul.f32 v8, v7  }
0x18f: {  	[tilespmem:s13+$0xFFFFFF10] =	vst v1;
	v1 =	vmul.f32 v2, v7;
	v2 =	vld [tilespmem:s7+$0x10]  }
0x190: {  	[tilespmem:s13+$0xA0] =	vst v3;
	v3 =	vld [tilespmem:s31+$0x10]  }
0x191: {  	v8 =	vld [tilespmem:s11+$0xFFFFFF90]  }
0x192: {  	[tilespmem:s13+$0xB0] =	vst v1;
	v12 =	vunpack.i.u.bf16.f32 v4;
	v1 =	vunpack.i.l.bf16.f32 v4;
	v4 =	vld [tilespmem:s7+$0xFFFFFFF0]  }
0x193: {  	v10 =	vld [tilespmem:s11+$0x60]  }
0x194: {  	v13 =	vunpack.i.l.bf16.f32 v9;
	v14 =	vmul.f32 v5, v1  }
0x195: {  	v11 =	vld [tilespmem:s31+$0xFFFFFFE0];
	v1 =	vpop (erf);
	v2 =	vadd.f32 v3, v2;
	v3 =	vunpack.i.u.bf16.f32 v9;
	v9 =	vmul.f32 v5, v12  }
0x196: {  	[tilespmem:s13+$0xFFFFFF80] =	vst v14;
	v12 =	vmul.f32 v1, v13;
	v13 =	vld [tilespmem:s7+$0xFFFFFFE0]  }
0x197: {  	v3 =	vmul.f32 v1, v3;
	v14 =	vmul.f32 $2.000000030e-01, v2;
	[tilespmem:s13+$0xFFFFFF90] =	vst v9  }
0x198: {  	v4 =	vadd.f32 v15, v4;
	v9 =	vunpack.i.u.bf16.f32 v8;
	v16 =	vunpack.i.l.bf16.f32 v10;
	v17 =	vld [tilespmem:s11+$0xFFFFFFD0]  }
0x199: {  	v10 =	vunpack.i.u.bf16.f32 v10;
	[tilespmem:s13+$0x0] =	vst v12;
	v12 =	vmul.f32 v16, v7;
	v2 =	vmax.f32 v2, v14  }
0x19a: {  	v8 =	vunpack.i.l.bf16.f32 v8;
	[tilespmem:s13+$0x10] =	vst v3;
	v3 =	vld [tilespmem:s7+$0x0];
	v10 =	vmul.f32 v10, v7;
	v2 =	vmul.f32 $1.442695020e+00, v2  }
0x19b: {  	v8 =	vmul.f32 v8, v6;
	v9 =	vmul.f32 v9, v6;
	[tilespmem:s13+$0xC0] =	vst v12;
	v12 =	vld [tilespmem:s11+$0x10];
	v11 =	vadd.f32 v11, v13  }
0x19c: {  	v14 =	vld [tilespmem:s31+$0x0];
	[tilespmem:s13+$0xD0] =	vst v10;
	v10 =	vmul.f32 $2.000000030e-01, v4;
	(erf) = vpow2.f32 v2  }
0x19d: {  	[tilespmem:s13+$0xFFFFFF20] =	vst v8;
	v2 =	vld [tilespmem:s11+$0x70];
	v8 =	vmul.f32 $2.000000030e-01, v11;
	v15 =	vunpack.i.l.bf16.f32 v17  }
0x19e: {  	[tilespmem:s13+$0xFFFFFF30] =	vst v9;
	v4 =	vmax.f32 v4, v10;
	v9 =	vmul.f32 v15, v5  }
0x19f: {  	s29 =	simm.s32 $0x4FE0;
	v10 =	vld [tilespmem:s11+$0xFFFFFFA0];
	v13 =	vunpack.i.u.bf16.f32 v17;
	v4 =	vmul.f32 $1.442695020e+00, v4;
	v8 =	vmax.f32 v11, v8  }
0x1a0: {  	v11 =	vmul.f32 v13, v5;
	v13 =	vld [tilespmem:s29+$0x40];
	v8 =	vmul.f32 $1.442695020e+00, v8;
	[tilespmem:s13+$0xFFFFFFA0] =	vst v9;
	v9 =	vunpack.i.u.bf16.f32 v12  }
0x1a1: {  	v3 =	vadd.f32 v14, v3;
	(erf) = vpow2.f32 v4;
	v4 =	vmul.f32 v9, v1  }
0x1a2: {  	[tilespmem:s13+$0xFFFFFFB0] =	vst v11;
	v9 =	vunpack.i.l.bf16.f32 v2;
	(erf) = vpow2.f32 v8;
	v8 =	vunpack.i.l.bf16.f32 v12  }
0x1a3: {  	v2 =	vunpack.i.u.bf16.f32 v2;
	v11 =	vld [tilespmem:s11+$0xFFFFFFE0];
	v9 =	vmul.f32 v9, v7;
	v12 =	vmul.f32 $2.000000030e-01, v3  }
0x1a4: {  	v15 =	vld [tilespmem:s29+$0xFFFFFFC0];
	v2 =	vmul.f32 v2, v7;
	[tilespmem:s13+$0x30] =	vst v4;
	v4 =	vunpack.i.l.bf16.f32 v10;
	v14 =	vmul.f32 v8, v1  }
0x1a5: {  	[tilespmem:s13+$0xE0] =	vst v9;
	v4 =	vmul.f32 v4, v6;
	v9 =	vunpack.i.l.bf16.f32 v13;
	v3 =	vmax.f32 v3, v12;
	v8 =	vpop (erf)  }
0x1a6: {  	v13 =	vunpack.i.u.bf16.f32 v13;
	[tilespmem:s13+$0xF0] =	vst v2;
	v3 =	vmul.f32 $1.442695020e+00, v3;
	v9 =	vmul.f32 v8, v9  }
0x1a7: {  	s25 =	simm.s32 $0x6760;
	v10 =	vunpack.i.u.bf16.f32 v10;
	v12 =	vld [tilespmem:s29+$0xFFFFFF80];
	[tilespmem:s13+$0xFFFFFF40] =	vst v4;
	v4 =	vmul.f32 v8, v13  }
0x1a8: {  	v10 =	vmul.f32 v10, v6;
	(erf) = vpow2.f32 v3;
	v3 =	vunpack.i.u.bf16.f32 v11;
	[tilespmem:s25+$0x80] =	vst v9  }
0x1a9: {  	v13 =	vunpack.i.l.bf16.f32 v11;
	[tilespmem:s25+$0x90] =	vst v4;
	v4 =	vunpack.i.l.bf16.f32 v15  }
0x1aa: {  	[tilespmem:s13+$0xFFFFFF50] =	vst v10;
	v9 =	vmul.f32 v13, v5;
	v10 =	vld [tilespmem:s29+$0x50]  }
0x1ab: {  	s3 =	simm.s32 $0x9100;
	[tilespmem:s13+$0x20] =	vst v14;
	v11 =	vmul.f32 v3, v5;
	v3 =	vpop (erf)  }
0x1ac: {  	v18 =	vld [tilespmem:s3+$0x10];
	v13 =	vunpack.i.l.bf16.f32 v12;
	v12 =	vunpack.i.u.bf16.f32 v12;
	[tilespmem:s13+$0xFFFFFFC0] =	vst v9;
	v9 =	vmul.f32 v3, v4;
	v4 =	vpop (erf)  }
0x1ad: {  	s21 =	simm.s32 $0x9680;
	v14 =	vld [tilespmem:s29+$0x0];
	[tilespmem:s8+$0x10] =	vst v7;
	v12 =	vmul.f32 v4, v12  }
0x1ae: {  	v20 =	vld [tilespmem:s21+$0xFFFFFFE0];
	[tilespmem:s13+$0xFFFFFFD0] =	vst v11  }
0x1af: {  	v11 =	vmul.f32 v4, v13;
	v13 =	vld [tilespmem:s11+$0x20];
	[tilespmem:s25+$0xFFFFFF10] =	vst v12;
	v12 =	vunpack.i.l.bf16.f32 v10  }
0x1b0: {  	[tilespmem:s25+$0xFFFFFF80] =	vst v9;
	v9 =	vld [tilespmem:s11+$0xFFFFFFB0];
	v10 =	vunpack.i.u.bf16.f32 v10;
	v12 =	vmul.f32 v12, v8  }
0x1b1: {  	v15 =	vunpack.i.u.bf16.f32 v15;
	[tilespmem:s25+$0xFFFFFF00] =	vst v11;
	v11 =	vld [tilespmem:s11+$0xFFFFFFF0];
	v10 =	vmul.f32 v10, v8  }
0x1b2: {  	v17 =	vunpack.i.l.bf16.f32 v14;
	v15 =	vmul.f32 v3, v15;
	v16 =	vld [tilespmem:s29+$0xFFFFFF90];
	v2 =	vpop (erf);
	[tilespmem:s25+$0xA0] =	vst v12  }
0x1b3: {  	v12 =	vunpack.i.u.bf16.f32 v14;
	v14 =	vmul.f32 v2, v17;
	v17 =	vld [tilespmem:s21+$0x10];
	[tilespmem:s25+$0xB0] =	vst v10  }
0x1b4: {  	[tilespmem:s25+$0xFFFFFF90] =	vst v15;
	v7 =	vunpack.i.l.bf16.f32 v13;
	v10 =	vmul.f32 v2, v12;
	v12 =	vld [tilespmem:s29+$0x60]  }
0x1b5: {  	v15 =	vld [tilespmem:s29+$0xFFFFFFD0];
	v13 =	vunpack.i.u.bf16.f32 v13;
	v7 =	vmul.f32 v7, v1;
	[tilespmem:s25+$0x0] =	vst v14  }
0x1b6: {  	v19 =	vunpack.i.l.bf16.f32 v9;
	v13 =	vmul.f32 v13, v1;
	v14 =	vld [tilespmem:s3+$0xFFFFFFF0];
	[tilespmem:s25+$0x10] =	vst v10  }
0x1b7: {  	v9 =	vunpack.i.u.bf16.f32 v9;
	v19 =	vmul.f32 v19, v6;
	v10 =	vld [tilespmem:s21+$0xFFFFFFF0];
	v21 =	vunpack.i.l.bf16.f32 v16;
	[tilespmem:s13+$0x40] =	vst v7  }
0x1b8: {  	v7 =	vmul.f32 v9, v6;
	v9 =	vunpack.i.u.bf16.f32 v16;
	[tilespmem:s13+$0x50] =	vst v13;
	v13 =	vld [tilespmem:s3+$0x0];
	v16 =	vmul.f32 v21, v4  }
0x1b9: {  	v9 =	vmul.f32 v9, v4;
	[tilespmem:s13+$0xFFFFFF60] =	vst v19;
	v19 =	vld [tilespmem:s21+$0x0];
	v17 =	vadd.f32 v17, v18;
	v18 =	vunpack.i.l.bf16.f32 v12  }
0x1ba: {  	v21 =	vunpack.i.l.bf16.f32 v15;
	[tilespmem:s25+$0xFFFFFF20] =	vst v16;
	v16 =	vld [tilespmem:s3+$0xFFFFFFE0];
	v12 =	vunpack.i.u.bf16.f32 v12;
	v18 =	vmul.f32 v18, v8  }
0x1bb: {  	v15 =	vunpack.i.u.bf16.f32 v15;
	v21 =	vmul.f32 v21, v3;
	[tilespmem:s25+$0xFFFFFF30] =	vst v9;
	v12 =	vmul.f32 v12, v8  }
0x1bc: {  	v15 =	vmul.f32 v15, v3;
	v9 =	vmul.f32 $2.000000030e-01, v17;
	[tilespmem:s25+$0xC0] =	vst v18  }
0x1bd: {  	v10 =	vadd.f32 v10, v14;
	v14 =	vunpack.i.u.bf16.f32 v11;
	v11 =	vunpack.i.l.bf16.f32 v11;
	v18 =	vld [tilespmem:s29+$0x10];
	[tilespmem:s25+$0xD0] =	vst v12  }
0x1be: {  	[tilespmem:s13+$0xFFFFFF70] =	vst v7;
	v9 =	vmax.f32 v17, v9;
	v11 =	vmul.f32 v11, v5;
	v12 =	vadd.f32 v19, v13;
	v13 =	vld [tilespmem:s29+$0x70]  }
0x1bf: {  	[tilespmem:s25+$0xFFFFFFB0] =	vst v15;
	v9 =	vmul.f32 $1.442695020e+00, v9;
	v15 =	vmul.f32 $2.000000030e-01, v10;
	v16 =	vadd.f32 v20, v16  }
0x1c0: {  	[tilespmem:s8+$0xFFFFFFE0] =	vst v6;
	v14 =	vmul.f32 v14, v5;
	v7 =	vmul.f32 $2.000000030e-01, v12  }
0x1c1: {  	[tilespmem:s25+$0xFFFFFFA0] =	vst v21;
	(erf) = vpow2.f32 v9;
	v6 =	vmax.f32 v10, v15;
	v9 =	vmul.f32 $2.000000030e-01, v16  }
0x1c2: {  	[tilespmem:s13+$0xFFFFFFE0] =	vst v11;
	v15 =	vld [tilespmem:s29+$0xFFFFFFA0];
	v6 =	vmul.f32 $1.442695020e+00, v6;
	v7 =	vmax.f32 v12, v7;
	v10 =	vunpack.i.u.bf16.f32 v18  }
0x1c3: {  	v11 =	vld [tilespmem:s29+$0xFFFFFFE0];
	[tilespmem:s13+$0xFFFFFFF0] =	vst v14;
	v10 =	vmul.f32 v10, v2;
	v9 =	vmax.f32 v16, v9;
	v12 =	vunpack.i.l.bf16.f32 v13  }
0x1c4: {  	[tilespmem:s8+$0xFFFFFFF0] =	vst v5;
	v13 =	vunpack.i.u.bf16.f32 v13;
	(erf) = vpow2.f32 v6;
	v12 =	vmul.f32 v12, v8  }
0x1c5: {  	s19 =	simm.s32 $0x50E0;
	v5 =	vmul.f32 $1.442695020e+00, v9;
	v6 =	vmul.f32 v13, v8;
	[tilespmem:s25+$0x30] =	vst v10  }
0x1c6: {  	v7 =	vmul.f32 $1.442695020e+00, v7;
	v9 =	vld [tilespmem:s19+$0x40];
	v13 =	vunpack.i.l.bf16.f32 v18;
	[tilespmem:s25+$0xE0] =	vst v12  }
0x1c7: {  	v10 =	vld [tilespmem:s11+$0x30];
	v13 =	vmul.f32 v13, v2;
	(erf) = vpow2.f32 v5;
	v5 =	vunpack.i.l.bf16.f32 v15;
	[tilespmem:s25+$0xF0] =	vst v6  }
0x1c8: {  	v12 =	vld [tilespmem:s19+$0xFFFFFF80];
	v6 =	vunpack.i.u.bf16.f32 v15;
	v15 =	vunpack.i.u.bf16.f32 v11;
	v14 =	vmul.f32 v5, v4;
	[tilespmem:s7+$0x10] =	vst v8  }
0x1c9: {  	v11 =	vunpack.i.l.bf16.f32 v11;
	(erf) = vpow2.f32 v7;
	v7 =	vld [tilespmem:s19+$0xFFFFFFC0];
	v6 =	vmul.f32 v6, v4;
	[tilespmem:s25+$0x20] =	vst v13  }
0x1ca: {  	v8 =	vld [tilespmem:s19+$0x0];
	v11 =	vmul.f32 v11, v3;
	[tilespmem:s25+$0xFFFFFF40] =	vst v14  }
0x1cb: {  	v16 =	vunpack.i.l.bf16.f32 v9;
	v5 =	vpop (erf);
	[tilespmem:s25+$0xFFFFFF50] =	vst v6;
	v6 =	vmul.f32 v15, v3  }
0x1cc: {  	v9 =	vunpack.i.u.bf16.f32 v9;
	[tilespmem:s25+$0xFFFFFFC0] =	vst v11;
	v13 =	vmul.f32 v5, v16;
	v16 =	vld [tilespmem:s29+$0x20]  }
0x1cd: {  	s24 =	simm.s32 $0x6960;
	v14 =	vunpack.i.u.bf16.f32 v10;
	v9 =	vmul.f32 v5, v9;
	v18 =	vld [tilespmem:s29+$0xFFFFFFB0];
	v10 =	vunpack.i.l.bf16.f32 v10;
	[tilespmem:s25+$0xFFFFFFD0] =	vst v6  }
0x1ce: {  	v15 =	vunpack.i.u.bf16.f32 v12;
	v12 =	vunpack.i.l.bf16.f32 v12;
	v10 =	vmul.f32 v10, v1;
	[tilespmem:s24+$0x80] =	vst v13  }
0x1cf: {  	v13 =	vunpack.i.u.bf16.f32 v7;
	v17 =	vunpack.i.l.bf16.f32 v7;
	[tilespmem:s24+$0x90] =	vst v9;
	v19 =	vunpack.i.u.bf16.f32 v8;
	v7 =	vpop (erf);
	v22 =	vld [tilespmem:s29+$0xFFFFFFF0]  }
0x1d0: {  	v9 =	vmul.f32 v14, v1;
	v11 =	vunpack.i.l.bf16.f32 v8;
	v20 =	vld [tilespmem:s19+$0x50];
	v14 =	vmul.f32 v7, v17  }
0x1d1: {  	v17 =	vmul.f32 v7, v13;
	[tilespmem:s13+$0x60] =	vst v10;
	v8 =	vpop (erf);
	v21 =	vunpack.i.u.bf16.f32 v16;
	v10 =	vunpack.i.l.bf16.f32 v16  }
0x1d2: {  	v16 =	vunpack.i.u.bf16.f32 v18;
	v12 =	vmul.f32 v8, v12;
	v15 =	vmul.f32 v8, v15  }
0x1d3: {  	[tilespmem:s24+$0xFFFFFF80] =	vst v14;
	v6 =	vpop (erf);
	v14 =	vmul.f32 v10, v2;
	v10 =	vmul.f32 v16, v4  }
0x1d4: {  	v23 =	vmul.f32 v6, v11;
	v13 =	vmul.f32 v6, v19;
	[tilespmem:s24+$0xFFFFFF00] =	vst v12  }
0x1d5: {  	v11 =	vunpack.i.l.bf16.f32 v18;
	v18 =	vunpack.i.l.bf16.f32 v22;
	[tilespmem:s24+$0xFFFFFF10] =	vst v15;
	v15 =	vunpack.i.l.bf16.f32 v20  }
0x1d6: {  	[tilespmem:s24+$0xFFFFFF90] =	vst v17;
	v12 =	vmul.f32 v21, v2;
	v17 =	vunpack.i.u.bf16.f32 v20;
	v16 =	vld [tilespmem:s19+$0xFFFFFF90];
	v19 =	vmul.f32 v15, v5  }
0x1d7: {  	s9 =	simm.s32 $0x8;
	s11 =	simm.s32 $0x9140;
	v11 =	vmul.f32 v11, v4;
	v15 =	vld [tilespmem:s19+$0xFFFFFFD0];
	[tilespmem:s24+$0x0] =	vst v23;
	v20 =	vmul.f32 v17, v5;
	v17 =	vunpack.i.u.bf16.f32 v22  }
.LBB2_7:
0x1d8: {  	v21 =	vld [tilespmem:s11+$0x10];
	[tilespmem:s24+$0xA0] =	vst v19;
	s21 =	sadd.s32 $0x40, s21;
	v18 =	vmul.f32 v18, v3;
	v17 =	vmul.f32 v17, v3  }
0x1d9: {  	v19 =	vld [tilespmem:s21+$0x10];
	[tilespmem:s24+$0xB0] =	vst v20  }
0x1da: {  	[tilespmem:s24+$0x10] =	vst v13;
	v13 =	vld [tilespmem:s19+$0x60]  }
0x1db: {  	v20 =	vld [tilespmem:s21+$0xFFFFFFE0];
	v22 =	vunpack.i.u.bf16.f32 v16;
	v16 =	vunpack.i.l.bf16.f32 v16;
	[tilespmem:s25+$0x40] =	vst v14  }
0x1dc: {  	v14 =	vld [tilespmem:s11+$0xFFFFFFF0];
	v16 =	vmul.f32 v16, v8;
	v23 =	vunpack.i.u.bf16.f32 v15;
	v15 =	vunpack.i.l.bf16.f32 v15;
	[tilespmem:s25+$0x50] =	vst v12  }
0x1dd: {  	v22 =	vmul.f32 v22, v8;
	v12 =	vld [tilespmem:s21+$0xFFFFFFF0];
	v15 =	vmul.f32 v15, v7;
	[tilespmem:s25+$0xFFFFFF60] =	vst v11  }
0x1de: {  	v11 =	vld [tilespmem:s11+$0x0];
	[tilespmem:s24+$0xFFFFFF20] =	vst v16;
	v16 =	vmul.f32 v23, v7  }
0x1df: {  	s9 =	sadd.s32 $0x4, s9;
	v19 =	vadd.f32 v19, v21;
	v23 =	vld [tilespmem:s21+$0x0];
	[tilespmem:s24+$0xFFFFFF30] =	vst v22;
	v21 =	vunpack.i.l.bf16.f32 v13  }
0x1e0: {  	p1 =	slt.u32 s9, $0x54;
	v13 =	vunpack.i.u.bf16.f32 v13;
	v22 =	vld [tilespmem:s11+$0xFFFFFFE0];
	[tilespmem:s24+$0xFFFFFFA0] =	vst v15;
	v15 =	vmul.f32 v21, v5  }
0x1e1: {  	v21 =	vmul.f32 $2.000000030e-01, v19;
	v13 =	vmul.f32 v13, v5;
	[tilespmem:s24+$0xFFFFFFB0] =	vst v16;
	v16 =	vld [tilespmem:s19+$0x10]  }
0x1e2: {  	v12 =	vadd.f32 v12, v14;
	v14 =	vld [tilespmem:s19+$0xFFFFFFA0];
	[tilespmem:s24+$0xC0] =	vst v15  }
0x1e3: {  	v15 =	vmax.f32 v19, v21;
	v19 =	vld [tilespmem:s19+$0xFFFFFFE0];
	[tilespmem:s24+$0xD0] =	vst v13  }
0x1e4: {  	v15 =	vmul.f32 $1.442695020e+00, v15;
	v13 =	vmul.f32 $2.000000030e-01, v12;
	v11 =	vadd.f32 v23, v11;
	v21 =	vld [tilespmem:s19+$0x70];
	[tilespmem:s25+$0xFFFFFF70] =	vst v10  }
0x1e5: {  	v10 =	vadd.f32 v20, v22;
	[tilespmem:s7+$0xFFFFFFE0] =	vst v4;
	v20 =	vld [tilespmem:s29+$0x30];
	v4 =	vmov v8;
	s29 =	smov.u32 s19  }
0x1e6: {  	v8 =	vmax.f32 v12, v13;
	v12 =	vmul.f32 $2.000000030e-01, v11;
	(erf) = vpow2.f32 v15;
	[tilespmem:s25+$0xFFFFFFE0] =	vst v18  }
0x1e7: {  	v15 =	vunpack.i.u.bf16.f32 v16;
	v13 =	vmul.f32 $2.000000030e-01, v10;
	v8 =	vmul.f32 $1.442695020e+00, v8;
	[tilespmem:s25+$0xFFFFFFF0] =	vst v17  }
0x1e8: {  	v15 =	vmul.f32 v15, v6;
	v11 =	vmax.f32 v11, v12;
	v12 =	vunpack.i.l.bf16.f32 v16;
	[tilespmem:s7+$0xFFFFFFF0] =	vst v3;
	v3 =	vmovc v7  }
0x1e9: {  	s19 =	sadd.s32 $0x100, s19;
	v7 =	vmax.f32 v10, v13;
	v10 =	vmul.f32 $1.442695020e+00, v11;
	v11 =	vunpack.i.l.bf16.f32 v21;
	[tilespmem:s13+$0x70] =	vst v9;
	s13 =	smov.u32 s25;
	s25 =	smov.u32 s24  }
0x1ea: {  	v13 =	vunpack.i.u.bf16.f32 v21;
	v7 =	vmul.f32 $1.442695020e+00, v7;
	v9 =	vld [tilespmem:s19+$0x40];
	[tilespmem:s24+$0x30] =	vst v15;
	v11 =	vmul.f32 v11, v5  }
0x1eb: {  	v13 =	vmul.f32 v13, v5;
	v15 =	vld [tilespmem:s19+$0xFFFFFF80];
	(erf) = vpow2.f32 v8;
	v8 =	vunpack.i.u.bf16.f32 v14;
	[tilespmem:s8+$0x0] =	vst v1;
	v1 =	vmovc v2;
	v2 =	vmovc v6;
	s8 =	smov.u32 s7;
	s7 =	smov.u32 s3;
	s3 =	smov.u32 s11  }
0x1ec: {  	v6 =	vld [tilespmem:s19+$0xFFFFFFC0];
	(erf) = vpow2.f32 v7;
	v7 =	vunpack.i.l.bf16.f32 v14;
	v12 =	vmul.f32 v12, v2;
	[tilespmem:s24+$0xE0] =	vst v11  }
0x1ed: {  	v14 =	vunpack.i.l.bf16.f32 v19;
	v11 =	vld [tilespmem:s19+$0x0];
	(erf) = vpow2.f32 v10;
	v10 =	vunpack.i.u.bf16.f32 v19;
	[tilespmem:s24+$0xF0] =	vst v13  }
0x1ee: {  	v8 =	vmul.f32 v8, v4;
	v7 =	vmul.f32 v7, v4;
	v13 =	vunpack.i.u.bf16.f32 v20;
	[tilespmem:s7+$0x10] =	vst v5  }
0x1ef: {  	v14 =	vmul.f32 v14, v3;
	v10 =	vmul.f32 v10, v3;
	v16 =	vunpack.i.l.bf16.f32 v9;
	v5 =	vpop (erf);
	[tilespmem:s24+$0x20] =	vst v12  }
0x1f0: {  	v9 =	vunpack.i.u.bf16.f32 v9;
	v12 =	vunpack.i.u.bf16.f32 v15;
	v16 =	vmul.f32 v5, v16;
	[tilespmem:s24+$0xFFFFFF40] =	vst v7;
	v17 =	vld [tilespmem:s29+$0x20]  }
0x1f1: {  	v15 =	vunpack.i.l.bf16.f32 v15;
	v21 =	vmul.f32 v5, v9;
	s24 =	sadd.s32 $0x200, s24;
	v18 =	vunpack.i.u.bf16.f32 v6;
	[tilespmem:s25+$0xFFFFFF50] =	vst v8  }
0x1f2: {  	v6 =	vunpack.i.l.bf16.f32 v6;
	v19 =	vunpack.i.u.bf16.f32 v11;
	v11 =	vunpack.i.l.bf16.f32 v11;
	[tilespmem:s24+$0x80] =	vst v16;
	v16 =	vld [tilespmem:s29+$0xFFFFFFB0]  }
0x1f3: {  	v9 =	vmul.f32 v13, v1;
	[tilespmem:s24+$0x90] =	vst v21;
	v21 =	vunpack.i.l.bf16.f32 v20  }
0x1f4: {  	v20 =	vld [tilespmem:s19+$0x50];
	v7 =	vpop (erf);
	[tilespmem:s25+$0xFFFFFFC0] =	vst v14;
	v13 =	vmul.f32 v21, v1  }
0x1f5: {  	v14 =	vmul.f32 v7, v6;
	v18 =	vmul.f32 v7, v18;
	v8 =	vpop (erf);
	[tilespmem:s25+$0xFFFFFFD0] =	vst v10;
	v10 =	vunpack.i.u.bf16.f32 v17  }
0x1f6: {  	v15 =	vmul.f32 v8, v15;
	v21 =	vmul.f32 v8, v12;
	v6 =	vpop (erf);
	v22 =	vld [tilespmem:s29+$0xFFFFFFF0];
	v12 =	vunpack.i.l.bf16.f32 v17;
	[tilespmem:s13+$0x60] =	vst v13  }
.Ltmp2:
0x1f7: {  	[tilespmem:s24+$0xFFFFFF80] =	vst v14;
	v17 =	vmul.f32 v6, v11;
	v13 =	vmul.f32 v6, v19;
	v19 =	vunpack.i.u.bf16.f32 v16;
	(pc) =	sbr.rel @p1 .LBB2_7-.Ltmp2, $4  }
0x1f8: {  	v11 =	vunpack.i.l.bf16.f32 v16;
	v14 =	vmul.f32 v12, v2;
	v12 =	vmul.f32 v10, v2;
	[tilespmem:s24+$0xFFFFFF00] =	vst v15  }
0x1f9: {  	v11 =	vmul.f32 v11, v4;
	v10 =	vmul.f32 v19, v4;
	[tilespmem:s24+$0xFFFFFF10] =	vst v21;
	v15 =	vunpack.i.l.bf16.f32 v20  }
0x1fa: {  	v16 =	vld [tilespmem:s19+$0xFFFFFF90];
	[tilespmem:s24+$0xFFFFFF90] =	vst v18;
	v18 =	vunpack.i.u.bf16.f32 v20;
	v19 =	vmul.f32 v15, v5  }
0x1fb: {  	s11 =	sadd.s32 $0x40, s11;
	v15 =	vld [tilespmem:s19+$0xFFFFFFD0];
	[tilespmem:s24+$0x0] =	vst v17;
	v20 =	vmul.f32 v18, v5;
	v17 =	vunpack.i.u.bf16.f32 v22;
	v18 =	vunpack.i.l.bf16.f32 v22  }
0x1fc: {  	[tilespmem:s24+$0xA0] =	vst v19  }
0x1fd: {  	[tilespmem:s24+$0x10] =	vst v13  }
0x1fe: {  	[tilespmem:s25+$0x40] =	vst v14  }
0x1ff: {  	[tilespmem:s25+$0x50] =	vst v12  }
0x200: {  	[tilespmem:s24+$0xB0] =	vst v20  }
0x201: {  	[tilespmem:s25+$0xFFFFFF60] =	vst v11;
	v34 =	vld [tilespmem:s19+$0x60]  }
0x202: {  	[tilespmem:s25+$0xFFFFFF70] =	vst v10  }
0x203: {  	v45 =	vmul.f32 v18, v3;
	[tilespmem:s13+$0x70] =	vst v9;
	v35 =	vunpack.i.l.bf16.f32 v16  }
0x204: {  	[tilespmem:s7+$0xFFFFFFE0] =	vst v4;
	v36 =	vunpack.i.u.bf16.f32 v16;
	v37 =	vmul.f32 v35, v8  }
0x205: {  	[tilespmem:s25+$0xFFFFFFE0] =	vst v45;
	v38 =	vunpack.i.l.bf16.f32 v15;
	v14 =	vmul.f32 v36, v8  }
0x206: {  	v12 =	vmul.f32 v38, v7;
	[tilespmem:s24+$0xFFFFFF20] =	vst v37;
	v40 =	vunpack.i.l.bf16.f32 v34  }
0x207: {  	v44 =	vld [tilespmem:s19+$0x10];
	[tilespmem:s24+$0xFFFFFF30] =	vst v14;
	v41 =	vunpack.i.u.bf16.f32 v34;
	v42 =	vmul.f32 v40, v5  }
0x208: {  	v39 =	vunpack.i.u.bf16.f32 v15;
	[tilespmem:s24+$0xFFFFFFA0] =	vst v12;
	v43 =	vmul.f32 v41, v5  }
0x209: {  	v11 =	vmul.f32 v39, v7;
	v47 =	vld [tilespmem:s19+$0xFFFFFFA0];
	[tilespmem:s24+$0xC0] =	vst v42  }
0x20a: {  	v46 =	vmul.f32 v17, v3;
	[tilespmem:s24+$0xD0] =	vst v43  }
0x20b: {  	[tilespmem:s24+$0xFFFFFFB0] =	vst v11;
	v48 =	vld [tilespmem:s19+$0x70]  }
0x20c: {  	[tilespmem:s25+$0xFFFFFFF0] =	vst v46;
	v49 =	vunpack.i.u.bf16.f32 v44;
	v50 =	vld [tilespmem:s19+$0xFFFFFFE0]  }
0x20d: {  	[tilespmem:s7+$0xFFFFFFF0] =	vst v3;
	v3 =	vunpack.i.l.bf16.f32 v44;
	v11 =	vmul.f32 v49, v6  }
0x20e: {  	[tilespmem:s8+$0x0] =	vst v1;
	v3 =	vmul.f32 v3, v6;
	v51 =	vunpack.i.l.bf16.f32 v47  }
0x20f: {  	[tilespmem:s24+$0x30] =	vst v11;
	v52 =	vunpack.i.u.bf16.f32 v47;
	v1 =	vmul.f32 v51, v8  }
0x210: {  	v53 =	vld [tilespmem:s29+$0x30];
	[tilespmem:s24+$0x20] =	vst v3;
	v11 =	vmul.f32 v52, v8;
	v54 =	vunpack.i.l.bf16.f32 v48  }
0x211: {  	v55 =	vunpack.i.l.bf16.f32 v50;
	[tilespmem:s24+$0xFFFFFF40] =	vst v1;
	v1 =	vld [tilespmem:s19+$0x20];
	v3 =	vmul.f32 v54, v5  }
0x212: {  	v10 =	vunpack.i.u.bf16.f32 v50;
	v12 =	vmul.f32 v55, v7;
	[tilespmem:s24+$0xFFFFFF50] =	vst v11  }
0x213: {  	v4 =	vunpack.i.u.bf16.f32 v48;
	v56 =	vld [tilespmem:s19+$0xFFFFFFB0];
	[tilespmem:s24+$0xE0] =	vst v3;
	v3 =	vmul.f32 v10, v7  }
0x214: {  	[tilespmem:s24+$0xFFFFFFC0] =	vst v12;
	v4 =	vmul.f32 v4, v5  }
0x215: {  	v57 =	vunpack.i.l.bf16.f32 v53;
	[tilespmem:s24+$0xFFFFFFD0] =	vst v3  }
0x216: {  	[tilespmem:s24+$0xF0] =	vst v4;
	v59 =	vunpack.i.l.bf16.f32 v1;
	v3 =	vmul.f32 v57, v2;
	v58 =	vld [tilespmem:s19+$0xFFFFFFF0]  }
0x217: {  	[tilespmem:s3+$0x10] =	vst v5;
	v1 =	vunpack.i.u.bf16.f32 v1;
	v60 =	vmul.f32 v59, v6  }
0x218: {  	v1 =	vmul.f32 v1, v6;
	[tilespmem:s25+$0x60] =	vst v3;
	v3 =	vunpack.i.l.bf16.f32 v56  }
0x219: {  	v10 =	vunpack.i.u.bf16.f32 v56;
	[tilespmem:s24+$0x40] =	vst v60;
	v3 =	vmul.f32 v3, v8  }
0x21a: {  	v61 =	vmul.f32 v10, v8;
	[tilespmem:s24+$0x50] =	vst v1  }
0x21b: {  	[tilespmem:s24+$0xFFFFFF60] =	vst v3;
	v3 =	vld [tilespmem:s19+$0x30];
	v1 =	vunpack.i.l.bf16.f32 v58  }
0x21c: {  	[tilespmem:s24+$0xFFFFFF70] =	vst v61;
	v4 =	vunpack.i.u.bf16.f32 v58;
	v1 =	vmul.f32 v1, v7  }
0x21d: {  	[tilespmem:s3+$0xFFFFFFE0] =	vst v8;
	v4 =	vmul.f32 v4, v7  }
0x21e: {  	v62 =	vunpack.i.u.bf16.f32 v53;
	[tilespmem:s24+$0xFFFFFFE0] =	vst v1  }
0x21f: {  	v1 =	vmul.f32 v62, v2;
	[tilespmem:s24+$0xFFFFFFF0] =	vst v4  }
0x220: {  	[tilespmem:s3+$0xFFFFFFF0] =	vst v7;
	v63 =	vunpack.i.l.bf16.f32 v3  }
0x221: {  	[tilespmem:s25+$0x70] =	vst v1;
	v1 =	vunpack.i.u.bf16.f32 v3;
	v3 =	vmul.f32 v63, v6  }
0x222: {  	[tilespmem:s7+$0x0] =	vst v2;
	v1 =	vmul.f32 v1, v6  }
0x223: {  	[tilespmem:s24+$0x60] =	vst v3  }
0x224: {  	[tilespmem:s24+$0x70] =	vst v1  }
0x225: {  	s31 =	simm.s32 $0x6460;
	[tilespmem:s3+$0x0] =	vst v6  }
0x226: {  	[spmem:s1] =	stream.indirect.scatter.add.f32 [tilespmem:s31], [sflag:$0x6], $0x80, s15, s12, $0xb8;
	[tilespmem:$0x1FB38] =	vst v63  }
0x227: {  	s3 =	simm.s32 @!p0 $0x1  }
0x228: {  	[spmem:s2] =	stream.indirect.scatter.add.f32 [tilespmem:s20], [sflag:$0x6], $0x10, s15, s12, $0xb8;
	[tilespmem:$0x1FB38] =	vst v63  }
0x229: {  	_ =	swait.ge @!p0 [sflag:s3], $0x58  }
0x22a: {  	[sflag:s3] =	ssyncset.done @!p0 $0x0  }
0x22b: {  	[sflag:s3] =	ssyncadd.s32 @!p0 $0xFFFFFFA8  }
0x22c: {  	_ =	swait.ge @!p0 [sflag:s3], $0x58  }
0x22d: {  	s8 =	simm.s32 @!p0 $0xB0;
	[sflag:s3] =	ssyncset.done @!p0 $0x0  }
0x22e: {  	s7 =	simm.s32 @!p0 $0x0;
	[sflag:s3] =	ssyncadd.s32 @!p0 $0xFFFFFFA8;
	s3 =	simm.s32 @!p0 $0x58  }
0x22f: {  	[tilespmem:s8], [sflag:$0x2] =	stream.indirect.gather @!p0 [hbm4b:s26+s3], $0x40, s7, s3, $0xb8;
	[tilespmem:$0x1FB38] =	vst v63  }
0x230: {  	s8 =	simm.s32 @!p0 $0x42B0  }
0x231: {  	[tilespmem:s8], [sflag:$0x2] =	stream.indirect.gather @!p0 [hbm4b:s28+s3], $0x10, s7, s3, $0xb8;
	[tilespmem:$0x1FB38] =	vst v63  }
0x232: {  	s30 =	sadd.s32 $0x1, s30;
	s7 =	simm.s32 @!p0 $0x4830  }
0x233: {  	[tilespmem:s7], [sflag:$0x2] =	stream.indirect.gather @!p0 [hbm4b:s17+s3], $0x10, s3, s3, $0xb8;
	[tilespmem:$0x1FB38] =	vst v63  }
0x234: {  	p0 =	sne.s32 s30, $0x39  }
.Ltmp3:
0x235: {  	_ = 	snop;
	(pc) =	sbr.rel @p0 .LBB2_4-.Ltmp3, $1  }
0x236: {  	_ =	sdelay $0x3  }
0x237: {  	s3 =	simm.s32 $0x6  }
0x238: {  	_ =	swait.ge [sflag:s3], $0x2C00  }
0x239: {  	[sflag:s3] =	ssyncset.done $0x0  }
0x23a: {  	[sflag:s3] =	ssyncadd.s32 $0xFFFFD400  }
0x23b: {  	_ =	swait.ge [sflag:s3], $0x580  }
0x23c: {  	[sflag:s3] =	ssyncset.done $0x0  }
0x23d: {  	[sflag:s3] =	ssyncadd.s32 $0xFFFFFA80  }
0x23e: {  	s24 =	stileid.u32;
	[bflag:$0x0] =	sbarrier.arrive $0xFFFF  }
0x23f: {  	s3 =	sshll.u32 s24, $0x6;
	s19 =	rddreg [dreg:$0x5]  }
0x240: {  	s3 =	sor.u32 $0x1C07, s3;
	s8 =	rddreg [dreg:$0x17];
	s7 =	sshrl.u32 s19, $0x3  }
0x241: {  	[hbm:s8], [sflag:s3] =	dma.local [spmem:s7], $0x2710  }
0x242: {  	_ =	swait.ge [sflag:s10], $0x2710  }
0x243: {  	[sflag:s10] =	ssyncset.done $0x0;
	s21 =	rddreg [dreg:$0x6]  }
0x244: {  	s29 =	rddreg [dreg:$0x18];
	[sflag:s10] =	ssyncadd.s32 $0xFFFFD8F0;
	s25 =	sshrl.u32 s21, $0x3  }
0x245: {  	[hbm:s29], [sflag:s3] =	dma.local [spmem:s25], $0x4E2  }
0x246: {  	_ =	swait.ge [sflag:s10], $0x4E2  }
0x247: {  	s30 =	rddreg [dreg:$0x1a]  }
0x248: {  	s31 =	rddreg [dreg:$0x19];
	s7 =	sadd.s32 $0x1, s30  }
0x249: {  	p0 =	sne.s32 s7, s31  }
.Ltmp4:
0x24a: {  	_ = 	snop;
	(pc) =	sbr.rel @p0 .LBB2_1-.Ltmp4, $3  }
0x24b: {  	_ =	sdelay $0x1  }
0x24c: {  	[sflag:s10] =	ssyncset.done $0x0  }
0x24d: {  	[sflag:s10] =	ssyncadd.s32 $0xFFFFFB1E  }
0x24e: {  	_ =	sfence.sel $0x180000  }
0x24f: {  	[bflag:$0x0] =	sbarrier.arrive $0xFFFF  }
0x250: {  	_ =	strace $0x90000047  }
0x251: {  	s0 =	stileid.u32;
	[bflag:$0x2] =	sbarrier.arrive $0xFFFF  }
0x252: {  	p0 =	sne.s32 s0, $0x0;
	s0 =	rddreg [dreg:$0x4]  }
0x253: {  	s0 =	sadd.s32 @!p0 $0x100000, s0  }
0x254: {  	[sflag:s0] =	ssyncadd.tile.s32 @!p0 $0x1;
	_ =	shalt  }
.Lfunc_end2:
_tile_overlayer_lowered:
.L_overlay_start_2:
0x255: {  	(tag) =	ssettag $0x2  }
0x256: {  	s0 =	rddreg [dreg:$0x0];
	s2 =	stileid.u32  }
0x257: {  	s1 =	rddreg [dreg:$0x1];
	p0 =	sne.s32 s2, $0x0  }
0x258: {  	s3 =	rddreg [dreg:$0x2];
	[bflag:$0x3] =	sbarrier.arrive $0xFFFF;
	s2 =	simm.s32 @!p0 $0x1C07  }
0x259: {  	[timem:s3], [sflag:s2] =	dma.local @!p0 [hbm:s0], s1  }
0x25a: {  	s0 =	simm.s32 @!p0 $0x7  }
0x25b: {  	_ =	swait.ge @!p0 [sflag:s0], s1  }
0x25c: {  	s1 =	ssub.s32 @!p0 $0x0, s1;
	[sflag:s0] =	ssyncset.done @!p0 $0x0  }
0x25d: {  	[sflag:s0] =	ssyncadd.s32 @!p0 s1  }
0x25e: {  	[bflag:$0x3] =	sbarrier.arrive $0xFFFF  }
0x25f: {  	_ =	shalt  }

</sc_bundles>
